<compile_context>
chip_gen: v7x
topology: tpu7x:2x2x1
jax: 0.10.2.dev20260603
libtpu: 0.0.44.dev20260713+nightly
codegen_flags: <defaults>
</compile_context>

<pallas_src>
import functools

import jax
import jax.numpy as jnp
from jax import lax
from jax.experimental import pallas as pl
from jax.experimental.pallas import tpu as pltpu
from jax.experimental.pallas import tpu_sc as plsc

_N = 4096
_K = 32
_CUT2 = 4.0
_L = 16

_info = plsc.get_sparse_core_info()
_NC = _info.num_cores
_NS = _info.num_subcores
_NW = _NC * _NS
_RPW = _N // _NW

_mesh = plsc.VectorSubcoreMesh(core_axis_name="c", subcore_axis_name="s")


def _rev(v):
    return lax.rev(v, (0,))


def _merge16(ak, av, bk, bv):
    rbk = _rev(bk)
    rbv = _rev(bv)
    p = ak <= rbk
    lk = jnp.minimum(ak, rbk)
    hk = jnp.maximum(ak, rbk)
    lv = jnp.where(p, av, rbv)
    hv = jnp.where(p, rbv, av)
    lk, lv = plsc.sort_key_val(lk, lv)
    hk, hv = plsc.sort_key_val(hk, hv)
    return lk, lv, hk, hv


def _sort_bitonic32(l0k, l0v, l1k, l1v):
    p = l0k <= l1k
    mk = jnp.minimum(l0k, l1k)
    Mk = jnp.maximum(l0k, l1k)
    mv = jnp.where(p, l0v, l1v)
    Mv = jnp.where(p, l1v, l0v)
    mk, mv = plsc.sort_key_val(mk, mv)
    Mk, Mv = plsc.sort_key_val(Mk, Mv)
    return mk, mv, Mk, Mv


def _low32of64(a0k, a0v, a1k, a1v, b0k, b0v, b1k, b1v):
    rb1k = _rev(b1k)
    rb1v = _rev(b1v)
    rb0k = _rev(b0k)
    rb0v = _rev(b0v)
    p0 = a0k <= rb1k
    l0k = jnp.minimum(a0k, rb1k)
    l0v = jnp.where(p0, a0v, rb1v)
    p1 = a1k <= rb0k
    l1k = jnp.minimum(a1k, rb0k)
    l1v = jnp.where(p1, a1v, rb0v)
    return _sort_bitonic32(l0k, l0v, l1k, l1v)


def _low32of48(a0k, a0v, a1k, a1v, bk, bv):
    rbk = _rev(bk)
    rbv = _rev(bv)
    p1 = a1k <= rbk
    l1k = jnp.minimum(a1k, rbk)
    l1v = jnp.where(p1, a1v, rbv)
    return _sort_bitonic32(a0k, a0v, l1k, l1v)


@functools.partial(
    pl.kernel,
    mesh=_mesh,
    compiler_params=pltpu.CompilerParams(needs_layout_passes=False),
    out_type=[
        jax.ShapeDtypeStruct((_NW, _RPW, _K), jnp.int32),
        jax.ShapeDtypeStruct((_NW, _RPW, _K), jnp.float32),
    ],
    scratch_types=[
        pltpu.VMEM((_N + 4 * _L,), jnp.float32),
        pltpu.VMEM((_N + 4 * _L,), jnp.float32),
        pltpu.VMEM((_N + 4 * _L,), jnp.float32),
        pltpu.VMEM((_N,), jnp.int32),
        pltpu.VMEM((_RPW,), jnp.int32),
        pltpu.VMEM((_RPW,), jnp.int32),
        pltpu.VMEM((_RPW, _K), jnp.int32),
        pltpu.VMEM((_RPW, _K), jnp.float32),
    ],
)
def _sc_radius(x_hbm, y_hbm, z_hbm, b_hbm, nbr_hbm, sq_hbm,
               xv, yv, zv, bv, ssv, sev, nbrv, sqv):
    wid = lax.axis_index("s") * _NC + lax.axis_index("c")

    pltpu.sync_copy(x_hbm, xv.at[pl.ds(0, _N)])
    pltpu.sync_copy(y_hbm, yv.at[pl.ds(0, _N)])
    pltpu.sync_copy(z_hbm, zv.at[pl.ds(0, _N)])
    pltpu.sync_copy(b_hbm, bv)

    lanes = lax.broadcasted_iota(jnp.int32, (_L,), 0)
    inf = jnp.float32(jnp.inf)
    inf_vec = jnp.full((_L,), inf, jnp.float32)
    zero_vec = jnp.zeros((_L,), jnp.float32)
    zero_ivec = jnp.zeros((_L,), jnp.int32)

    def seg_group(g, carry_unused):
        idx = (g * _L + lanes) * _NW + wid
        val = plsc.load_gather(bv, [idx])

        def bs_step(_, bounds):
            lo_s, hi_s, lo_e, hi_e = bounds
            mid_s = (lo_s + hi_s) // 2
            bm_s = plsc.load_gather(bv, [jnp.minimum(mid_s, _N - 1)])
            p_s = (bm_s < val) & (lo_s < hi_s)
            mid_e = (lo_e + hi_e) // 2
            bm_e = plsc.load_gather(bv, [jnp.minimum(mid_e, _N - 1)])
            p_e = (bm_e <= val) & (lo_e < hi_e)
            return (jnp.where(p_s, mid_s + 1, lo_s),
                    jnp.where(p_s, hi_s, mid_s),
                    jnp.where(p_e, mid_e + 1, lo_e),
                    jnp.where(p_e, hi_e, mid_e))

        z16 = jnp.zeros((_L,), jnp.int32)
        n16 = jnp.full((_L,), _N, jnp.int32)
        lo_s, _hs, lo_e, _he = lax.fori_loop(
            0, 12, bs_step, (z16, n16, z16, n16))
        ssv[pl.ds(g * _L, _L)] = lo_s
        sev[pl.ds(g * _L, _L)] = lo_e
        return carry_unused

    lax.fori_loop(0, _RPW // _L, seg_group, 0)

    def per_node(t, carry_unused):
        i = t * _NW + wid
        iv = jnp.full((_L,), i, jnp.int32)
        tv = jnp.full((_L,), t, jnp.int32)
        sv = plsc.load_gather(ssv, [tv])
        ev = plsc.load_gather(sev, [tv])
        xiv = plsc.load_gather(xv, [iv])
        yiv = plsc.load_gather(yv, [iv])
        ziv = plsc.load_gather(zv, [iv])
        s = sv[0]
        e = ev[0]
        c0 = s // _L
        c1 = (e + (_L - 1)) // _L

        def chunk_keys(off):
            jj = off + lanes
            dx = xiv - xv[pl.ds(off, _L)]
            dy = yiv - yv[pl.ds(off, _L)]
            dz = ziv - zv[pl.ds(off, _L)]
            sq = dx * dx + dy * dy
            sq = sq + dz * dz
            ok = (jj >= sv) & (jj < ev) & (jj != iv) & (sq < _CUT2)
            return jnp.where(ok, sq, inf), jj

        def emit(k0, v0, k1, v1):
            pad0 = k0 == inf
            pad1 = k1 == inf
            nbrv[t, pl.ds(0, _L)] = jnp.where(pad0, iv, v0)
            sqv[t, pl.ds(0, _L)] = jnp.where(pad0, zero_vec, k0)
            nbrv[t, pl.ds(_L, _L)] = jnp.where(pad1, iv, v1)
            sqv[t, pl.ds(_L, _L)] = jnp.where(pad1, zero_vec, k1)

        @pl.when(c1 - c0 <= 4)
        def _():
            ks = []
            vs = []
            for q in range(4):
                off = pl.multiple_of(c0 * _L + q * _L, _L)
                kq, jq = chunk_keys(off)
                kq, jq = plsc.sort_key_val(kq, jq)
                ks.append(kq)
                vs.append(jq)
            a = _merge16(ks[0], vs[0], ks[1], vs[1])
            b = _merge16(ks[2], vs[2], ks[3], vs[3])
            emit(*_low32of64(*a, *b))

        @pl.when(c1 - c0 > 4)
        def _():
            def fold(c, acc):
                off = pl.multiple_of(c * _L, _L)
                kq, jq = chunk_keys(off)
                kq, jq = plsc.sort_key_val(kq, jq)
                return _low32of48(*acc, kq, jq)

            acc0 = (inf_vec, zero_ivec, inf_vec, zero_ivec)
            emit(*lax.fori_loop(c0, c1, fold, acc0))

        return carry_unused

    lax.fori_loop(0, _RPW, per_node, 0)

    pltpu.sync_copy(nbrv, nbr_hbm.at[wid])
    pltpu.sync_copy(sqv, sq_hbm.at[wid])


def _sqrt_body(x_ref, o_ref):
    o_ref[...] = jnp.sqrt(x_ref[...])


_tc_sqrt = pl.pallas_call(
    _sqrt_body,
    out_shape=jax.ShapeDtypeStruct((_N * _K // 1024, 1024), jnp.float32),
)


def kernel(pos, batch):
    pos = pos.astype(jnp.float32)
    batch = batch.astype(jnp.int32)
    x = pos[:, 0]
    y = pos[:, 1]
    z = pos[:, 2]
    nbr, sq = _sc_radius(x, y, z, batch)
    nbr = nbr.transpose(1, 0, 2).reshape(-1)
    sq = sq.transpose(1, 0, 2).reshape(_N * _K // 1024, 1024)
    w = _tc_sqrt(sq).reshape(-1)
    col = jnp.broadcast_to(
        jnp.arange(_N, dtype=jnp.int32)[:, None], (_N, _K)).reshape(-1)
    edge_index = jnp.stack([nbr, col], axis=0)
    return edge_index, w

# --- scband reference (transcript-rebuilt; emitter-appended) ---
"""Pipeline reference for scband-radius-interaction-graph-43198781063281 (READ-ONLY COPY).

The authoritative reference and input builder live on the scoring server;
editing this copy changes nothing except your own understanding.
"""

import jax, jax.numpy as jnp
import numpy as np

CUTOFF = 2.0
MAX_NUM_NEIGHBORS = 32
N = 4096
NUM_GRAPHS = 128


def setup_inputs(seed: int = 0) -> dict:
    key = jax.random.key(seed)
    k1, k2 = jax.random.split(key)
    pos = jax.random.normal(k1, (N, 3), dtype=jnp.float32)
    batch = jnp.sort(jax.random.randint(k2, (N,), 0, NUM_GRAPHS))
    return {"pos": pos, "batch": batch}


def reference(pos, batch):
    # radius_graph: for each center node i, up to MAX_NUM_NEIGHBORS neighbors j
    # with same batch id, j != i, ||pos[i]-pos[j]|| < cutoff.
    # Static-shape version: fixed E = N * K edge slots; invalid slots are padded
    # with self-loops (row == col) and edge_weight 0.
    n = pos.shape[0]
    K = MAX_NUM_NEIGHBORS
    diff = pos[:, None, :] - pos[None, :, :]            # [N, N, 3]
    sq = jnp.sum(diff * diff, axis=-1)                  # [N, N] squared distances
    same = batch[:, None] == batch[None, :]
    eye = jnp.eye(n, dtype=bool)
    valid = same & (~eye) & (sq < CUTOFF * CUTOFF)
    masked = jnp.where(valid, sq, jnp.inf)              # smaller = closer
    neg_top, nbr_idx = jax.lax.top_k(-masked, K)        # nearest-K within radius
    valid_edge = jnp.isfinite(neg_top)                  # [N, K]
    center = jnp.broadcast_to(jnp.arange(n)[:, None], (n, K))
    src = jnp.where(valid_edge, nbr_idx, center)
    row = src.reshape(-1)
    col = center.reshape(-1)
    edge_index = jnp.stack([row, col], axis=0)          # [2, N*K]
    d = pos[row] - pos[col]
    s = jnp.sum(d * d, axis=-1)
    ve = valid_edge.reshape(-1)
    edge_weight = jnp.where(ve, jnp.sqrt(jnp.where(ve, s, 1.0)), 0.0)
    return edge_index, edge_weight

if __name__ == "__main__":
    import jax
    _d = setup_inputs()
    print(jax.jit(kernel)(*tuple(_d.values())))

</pallas_src>

<mosaic_0001>
#map = affine_map<(d0, d1) -> (0)>
#map1 = affine_map<(d0, d1) -> (0, 0, 0)>
module attributes {stable_mosaic.version = 14 : i64} {
  func.func @_sc_radius(%arg0: i32, %arg1: i32, %arg2: memref<4096xf32, #tpu.memory_space<hbm>>, %arg3: memref<4096xf32, #tpu.memory_space<hbm>>, %arg4: memref<4096xf32, #tpu.memory_space<hbm>>, %arg5: memref<4096xi32, #tpu.memory_space<hbm>>, %arg6: memref<32x128x32xi32, #tpu.memory_space<hbm>>, %arg7: memref<32x128x32xf32, #tpu.memory_space<hbm>>, %arg8: memref<4160xf32, #tpu.memory_space<vmem>>, %arg9: memref<4160xf32, #tpu.memory_space<vmem>>, %arg10: memref<4160xf32, #tpu.memory_space<vmem>>, %arg11: memref<4096xi32, #tpu.memory_space<vmem>>, %arg12: memref<128xi32, #tpu.memory_space<vmem>>, %arg13: memref<128xi32, #tpu.memory_space<vmem>>, %arg14: memref<128x32xi32, #tpu.memory_space<vmem>>, %arg15: memref<128x32xf32, #tpu.memory_space<vmem>>) attributes {dimension_semantics = [#tpu.dimension_semantics<core_parallel>, #tpu.dimension_semantics<subcore_parallel>], iteration_bounds = array<i64: 2, 16>, scalar_prefetch = 0 : i64, scratch_operands = 8 : i64, tpu.core_type = #tpu.core_type<sc_vector_subcore>, window_params = [{transform_indices = #map}, {transform_indices = #map}, {transform_indices = #map}, {transform_indices = #map}, {transform_indices = #map1}, {transform_indices = #map1}]} {
    %mul3A = arith.constant 2 : i32
    %mul3A_0 = arith.muli %arg1, %mul3A : i32
    %add3A = arith.addi %mul3A_0, %arg0 : i32
    "tpu.region"() ({
      %run_scoped3A = tpu.sem_alloc : memref<!tpu.dma_semaphore, #tpu.memory_space<semaphore_mem>>
      %dma_start3A = arith.constant 0 : i32
      %dma_start3A_18 = tpu.memref_slice %arg8[%dma_start3A] : memref<4160xf32, #tpu.memory_space<vmem>> -> memref<4096xf32, #tpu.memory_space<vmem>>
      %dma_start3A_19 = arith.constant 0 : i32
      %dma_start3A_20 = tpu.memref_slice %arg8[%dma_start3A_19] : memref<4160xf32, #tpu.memory_space<vmem>> -> memref<4096xf32, #tpu.memory_space<vmem>>
      tpu.enqueue_dma source(%arg2 : memref<4096xf32, #tpu.memory_space<hbm>>) target(%dma_start3A_20 : memref<4096xf32, #tpu.memory_space<vmem>>) target_semaphore(%run_scoped3A : memref<!tpu.dma_semaphore, #tpu.memory_space<semaphore_mem>>)
      %dma_wait3A = arith.constant 0 : i32
      %dma_wait3A_21 = tpu.memref_slice %arg8[%dma_wait3A] : memref<4160xf32, #tpu.memory_space<vmem>> -> memref<4096xf32, #tpu.memory_space<vmem>>
      %dma_wait3A_22 = arith.constant 0 : i32
      %dma_wait3A_23 = tpu.memref_slice %arg8[%dma_wait3A_22] : memref<4160xf32, #tpu.memory_space<vmem>> -> memref<4096xf32, #tpu.memory_space<vmem>>
      tpu.wait_dma2 semaphore(%run_scoped3A : memref<!tpu.dma_semaphore, #tpu.memory_space<semaphore_mem>>) src(%arg2 : memref<4096xf32, #tpu.memory_space<hbm>>) dst(%dma_wait3A_23 : memref<4096xf32, #tpu.memory_space<vmem>>)
      tpu.yield
    }) : () -> ()
    "tpu.region"() ({
      %run_scoped3A = tpu.sem_alloc : memref<!tpu.dma_semaphore, #tpu.memory_space<semaphore_mem>>
      %dma_start3A = arith.constant 0 : i32
      %dma_start3A_18 = tpu.memref_slice %arg9[%dma_start3A] : memref<4160xf32, #tpu.memory_space<vmem>> -> memref<4096xf32, #tpu.memory_space<vmem>>
      %dma_start3A_19 = arith.constant 0 : i32
      %dma_start3A_20 = tpu.memref_slice %arg9[%dma_start3A_19] : memref<4160xf32, #tpu.memory_space<vmem>> -> memref<4096xf32, #tpu.memory_space<vmem>>
      tpu.enqueue_dma source(%arg3 : memref<4096xf32, #tpu.memory_space<hbm>>) target(%dma_start3A_20 : memref<4096xf32, #tpu.memory_space<vmem>>) target_semaphore(%run_scoped3A : memref<!tpu.dma_semaphore, #tpu.memory_space<semaphore_mem>>)
      %dma_wait3A = arith.constant 0 : i32
      %dma_wait3A_21 = tpu.memref_slice %arg9[%dma_wait3A] : memref<4160xf32, #tpu.memory_space<vmem>> -> memref<4096xf32, #tpu.memory_space<vmem>>
      %dma_wait3A_22 = arith.constant 0 : i32
      %dma_wait3A_23 = tpu.memref_slice %arg9[%dma_wait3A_22] : memref<4160xf32, #tpu.memory_space<vmem>> -> memref<4096xf32, #tpu.memory_space<vmem>>
      tpu.wait_dma2 semaphore(%run_scoped3A : memref<!tpu.dma_semaphore, #tpu.memory_space<semaphore_mem>>) src(%arg3 : memref<4096xf32, #tpu.memory_space<hbm>>) dst(%dma_wait3A_23 : memref<4096xf32, #tpu.memory_space<vmem>>)
      tpu.yield
    }) : () -> ()
    "tpu.region"() ({
      %run_scoped3A = tpu.sem_alloc : memref<!tpu.dma_semaphore, #tpu.memory_space<semaphore_mem>>
      %dma_start3A = arith.constant 0 : i32
      %dma_start3A_18 = tpu.memref_slice %arg10[%dma_start3A] : memref<4160xf32, #tpu.memory_space<vmem>> -> memref<4096xf32, #tpu.memory_space<vmem>>
      %dma_start3A_19 = arith.constant 0 : i32
      %dma_start3A_20 = tpu.memref_slice %arg10[%dma_start3A_19] : memref<4160xf32, #tpu.memory_space<vmem>> -> memref<4096xf32, #tpu.memory_space<vmem>>
      tpu.enqueue_dma source(%arg4 : memref<4096xf32, #tpu.memory_space<hbm>>) target(%dma_start3A_20 : memref<4096xf32, #tpu.memory_space<vmem>>) target_semaphore(%run_scoped3A : memref<!tpu.dma_semaphore, #tpu.memory_space<semaphore_mem>>)
      %dma_wait3A = arith.constant 0 : i32
      %dma_wait3A_21 = tpu.memref_slice %arg10[%dma_wait3A] : memref<4160xf32, #tpu.memory_space<vmem>> -> memref<4096xf32, #tpu.memory_space<vmem>>
      %dma_wait3A_22 = arith.constant 0 : i32
      %dma_wait3A_23 = tpu.memref_slice %arg10[%dma_wait3A_22] : memref<4160xf32, #tpu.memory_space<vmem>> -> memref<4096xf32, #tpu.memory_space<vmem>>
      tpu.wait_dma2 semaphore(%run_scoped3A : memref<!tpu.dma_semaphore, #tpu.memory_space<semaphore_mem>>) src(%arg4 : memref<4096xf32, #tpu.memory_space<hbm>>) dst(%dma_wait3A_23 : memref<4096xf32, #tpu.memory_space<vmem>>)
      tpu.yield
    }) : () -> ()
    "tpu.region"() ({
      %run_scoped3A = tpu.sem_alloc : memref<!tpu.dma_semaphore, #tpu.memory_space<semaphore_mem>>
      tpu.enqueue_dma source(%arg5 : memref<4096xi32, #tpu.memory_space<hbm>>) target(%arg11 : memref<4096xi32, #tpu.memory_space<vmem>>) target_semaphore(%run_scoped3A : memref<!tpu.dma_semaphore, #tpu.memory_space<semaphore_mem>>)
      tpu.wait_dma2 semaphore(%run_scoped3A : memref<!tpu.dma_semaphore, #tpu.memory_space<semaphore_mem>>) src(%arg5 : memref<4096xi32, #tpu.memory_space<hbm>>) dst(%arg11 : memref<4096xi32, #tpu.memory_space<vmem>>)
      tpu.yield
    }) : () -> ()
    %iota3A = tpu.iota {dimensions = array<i32: 0>} : vector<16xi32>
    %broadcast_in_dim3A = arith.constant 0x7F800000 : f32
    %broadcast_in_dim3A_1 = vector.broadcast %broadcast_in_dim3A : f32 to vector<16xf32>
    %broadcast_in_dim3A_2 = arith.constant 0.000000e+00 : f32
    %broadcast_in_dim3A_3 = vector.broadcast %broadcast_in_dim3A_2 : f32 to vector<16xf32>
    %broadcast_in_dim3A_4 = arith.constant 0 : i32
    %broadcast_in_dim3A_5 = vector.broadcast %broadcast_in_dim3A_4 : i32 to vector<16xi32>
    %scan3A = arith.constant 0 : i32
    %scan3A_6 = arith.constant 0 : i32
    %scan3A_7 = arith.constant 8 : i32
    %scan3A_8 = arith.addi %scan3A_6, %scan3A_7 : i32
    %scan3A_9 = arith.constant 1 : i32
    scf.for %scan3A_18 = %scan3A_6 to %scan3A_8 step %scan3A_9  : i32 {
      %mul3A_19 = arith.constant 16 : i32
      %mul3A_20 = arith.muli %scan3A_18, %mul3A_19 : i32
      %add3A_21 = vector.broadcast %mul3A_20 : i32 to vector<16xi32>
      %add3A_22 = arith.addi %add3A_21, %iota3A : vector<16xi32>
      %mul3A_23 = arith.constant 32 : i32
      %mul3A_24 = vector.broadcast %mul3A_23 : i32 to vector<16xi32>
      %mul3A_25 = arith.muli %add3A_22, %mul3A_24 : vector<16xi32>
      %add3A_26 = vector.broadcast %add3A : i32 to vector<16xi32>
      %add3A_27 = arith.addi %mul3A_25, %add3A_26 : vector<16xi32>
      %gather3A = tpu.vector_load_idx %arg11[%add3A_27] : memref<4096xi32, #tpu.memory_space<vmem>>[vector<16xi32>], vector<16xi32>,
      %broadcast_in_dim3A_28 = arith.constant 0 : i32
      %broadcast_in_dim3A_29 = vector.broadcast %broadcast_in_dim3A_28 : i32 to vector<16xi32>
      %broadcast_in_dim3A_30 = arith.constant 4096 : i32
      %broadcast_in_dim3A_31 = vector.broadcast %broadcast_in_dim3A_30 : i32 to vector<16xi32>
      %scan3A_32 = arith.constant 0 : i32
      %scan3A_33 = arith.constant 12 : i32
      %scan3A_34 = arith.addi %scan3A_32, %scan3A_33 : i32
      %scan3A_35 = arith.constant 1 : i32
      %scan3A_36:4 = scf.for %scan3A_45 = %scan3A_32 to %scan3A_34 step %scan3A_35 iter_args(%scan3A_46 = %broadcast_in_dim3A_29, %scan3A_47 = %broadcast_in_dim3A_31, %scan3A_48 = %broadcast_in_dim3A_29, %scan3A_49 = %broadcast_in_dim3A_31) -> (vector<16xi32>, vector<16xi32>, vector<16xi32>, vector<16xi32>)  : i32 {
        %add3A_50 = arith.addi %scan3A_46, %scan3A_47 : vector<16xi32>
        %jit3A = arith.constant 2 : i32
        %div3A = vector.broadcast %jit3A : i32 to vector<16xi32>
        %div3A_51 = arith.divsi %add3A_50, %div3A : vector<16xi32>
        %sign3A = arith.constant 0 : i32
        %sign3A_52 = vector.broadcast %sign3A : i32 to vector<16xi32>
        %sign3A_53 = arith.cmpi sgt, %add3A_50, %sign3A_52 : vector<16xi32>
        %sign3A_54 = arith.extui %sign3A_53 : vector<16xi1> to vector<16xi32>
        %sign3A_55 = arith.constant 0 : i32
        %sign3A_56 = vector.broadcast %sign3A_55 : i32 to vector<16xi32>
        %sign3A_57 = arith.cmpi slt, %add3A_50, %sign3A_56 : vector<16xi32>
        %sign3A_58 = arith.extui %sign3A_57 : vector<16xi1> to vector<16xi32>
        %sign3A_59 = arith.subi %sign3A_54, %sign3A_58 : vector<16xi32>
        %sign3A_60 = arith.constant 0 : i32
        %sign3A_61 = arith.cmpi sgt, %jit3A, %sign3A_60 : i32
        %sign3A_62 = arith.extui %sign3A_61 : i1 to i32
        %sign3A_63 = arith.constant 0 : i32
        %sign3A_64 = arith.cmpi slt, %jit3A, %sign3A_63 : i32
        %sign3A_65 = arith.extui %sign3A_64 : i1 to i32
        %sign3A_66 = arith.subi %sign3A_62, %sign3A_65 : i32
        %ne3A = vector.broadcast %sign3A_66 : i32 to vector<16xi32>
        %ne3A_67 = arith.cmpi ne, %sign3A_59, %ne3A : vector<16xi32>
        %rem3A = vector.broadcast %jit3A : i32 to vector<16xi32>
        %rem3A_68 = arith.remsi %add3A_50, %rem3A : vector<16xi32>
        %ne3A_69 = arith.constant 0 : i32
        %ne3A_70 = vector.broadcast %ne3A_69 : i32 to vector<16xi32>
        %ne3A_71 = arith.cmpi ne, %rem3A_68, %ne3A_70 : vector<16xi32>
        %and3A = arith.andi %ne3A_67, %ne3A_71 : vector<16xi1>
        %sub3A = arith.constant 1 : i32
        %sub3A_72 = vector.broadcast %sub3A : i32 to vector<16xi32>
        %sub3A_73 = arith.subi %div3A_51, %sub3A_72 : vector<16xi32>
        %select_n3A = arith.select %and3A, %sub3A_73, %div3A_51 : vector<16xi1>, vector<16xi32>
        %min3A = arith.constant 4095 : i32
        %min3A_74 = vector.broadcast %min3A : i32 to vector<16xi32>
        %min3A_75 = arith.minsi %select_n3A, %min3A_74 : vector<16xi32>
        %gather3A_76 = tpu.vector_load_idx %arg11[%min3A_75] : memref<4096xi32, #tpu.memory_space<vmem>>[vector<16xi32>], vector<16xi32>,
        %lt3A = arith.cmpi slt, %gather3A_76, %gather3A : vector<16xi32>
        %lt3A_77 = arith.cmpi slt, %scan3A_46, %scan3A_47 : vector<16xi32>
        %and3A_78 = arith.andi %lt3A, %lt3A_77 : vector<16xi1>
        %add3A_79 = arith.addi %scan3A_48, %scan3A_49 : vector<16xi32>
        %jit3A_80 = arith.constant 2 : i32
        %div3A_81 = vector.broadcast %jit3A_80 : i32 to vector<16xi32>
        %div3A_82 = arith.divsi %add3A_79, %div3A_81 : vector<16xi32>
        %sign3A_83 = arith.constant 0 : i32
        %sign3A_84 = vector.broadcast %sign3A_83 : i32 to vector<16xi32>
        %sign3A_85 = arith.cmpi sgt, %add3A_79, %sign3A_84 : vector<16xi32>
        %sign3A_86 = arith.extui %sign3A_85 : vector<16xi1> to vector<16xi32>
        %sign3A_87 = arith.constant 0 : i32
        %sign3A_88 = vector.broadcast %sign3A_87 : i32 to vector<16xi32>
        %sign3A_89 = arith.cmpi slt, %add3A_79, %sign3A_88 : vector<16xi32>
        %sign3A_90 = arith.extui %sign3A_89 : vector<16xi1> to vector<16xi32>
        %sign3A_91 = arith.subi %sign3A_86, %sign3A_90 : vector<16xi32>
        %sign3A_92 = arith.constant 0 : i32
        %sign3A_93 = arith.cmpi sgt, %jit3A_80, %sign3A_92 : i32
        %sign3A_94 = arith.extui %sign3A_93 : i1 to i32
        %sign3A_95 = arith.constant 0 : i32
        %sign3A_96 = arith.cmpi slt, %jit3A_80, %sign3A_95 : i32
        %sign3A_97 = arith.extui %sign3A_96 : i1 to i32
        %sign3A_98 = arith.subi %sign3A_94, %sign3A_97 : i32
        %ne3A_99 = vector.broadcast %sign3A_98 : i32 to vector<16xi32>
        %ne3A_100 = arith.cmpi ne, %sign3A_91, %ne3A_99 : vector<16xi32>
        %rem3A_101 = vector.broadcast %jit3A_80 : i32 to vector<16xi32>
        %rem3A_102 = arith.remsi %add3A_79, %rem3A_101 : vector<16xi32>
        %ne3A_103 = arith.constant 0 : i32
        %ne3A_104 = vector.broadcast %ne3A_103 : i32 to vector<16xi32>
        %ne3A_105 = arith.cmpi ne, %rem3A_102, %ne3A_104 : vector<16xi32>
        %and3A_106 = arith.andi %ne3A_100, %ne3A_105 : vector<16xi1>
        %sub3A_107 = arith.constant 1 : i32
        %sub3A_108 = vector.broadcast %sub3A_107 : i32 to vector<16xi32>
        %sub3A_109 = arith.subi %div3A_82, %sub3A_108 : vector<16xi32>
        %select_n3A_110 = arith.select %and3A_106, %sub3A_109, %div3A_82 : vector<16xi1>, vector<16xi32>
        %min3A_111 = arith.constant 4095 : i32
        %min3A_112 = vector.broadcast %min3A_111 : i32 to vector<16xi32>
        %min3A_113 = arith.minsi %select_n3A_110, %min3A_112 : vector<16xi32>
        %gather3A_114 = tpu.vector_load_idx %arg11[%min3A_113] : memref<4096xi32, #tpu.memory_space<vmem>>[vector<16xi32>], vector<16xi32>,
        %le3A = arith.cmpi sle, %gather3A_114, %gather3A : vector<16xi32>
        %lt3A_115 = arith.cmpi slt, %scan3A_48, %scan3A_49 : vector<16xi32>
        %and3A_116 = arith.andi %le3A, %lt3A_115 : vector<16xi1>
        %add3A_117 = arith.constant 1 : i32
        %add3A_118 = vector.broadcast %add3A_117 : i32 to vector<16xi32>
        %add3A_119 = arith.addi %select_n3A, %add3A_118 : vector<16xi32>
        %select_n3A_120 = arith.select %and3A_78, %add3A_119, %scan3A_46 : vector<16xi1>, vector<16xi32>
        %select_n3A_121 = arith.select %and3A_78, %scan3A_47, %select_n3A : vector<16xi1>, vector<16xi32>
        %add3A_122 = arith.constant 1 : i32
        %add3A_123 = vector.broadcast %add3A_122 : i32 to vector<16xi32>
        %add3A_124 = arith.addi %select_n3A_110, %add3A_123 : vector<16xi32>
        %select_n3A_125 = arith.select %and3A_116, %add3A_124, %scan3A_48 : vector<16xi1>, vector<16xi32>
        %select_n3A_126 = arith.select %and3A_116, %scan3A_49, %select_n3A_110 : vector<16xi1>, vector<16xi32>
        scf.yield %select_n3A_120, %select_n3A_121, %select_n3A_125, %select_n3A_126 : vector<16xi32>, vector<16xi32>, vector<16xi32>, vector<16xi32>
      }
      %scan3A_37 = arith.constant 12 : i32
      %mul3A_38 = arith.constant 16 : i32
      %mul3A_39 = arith.muli %scan3A_18, %mul3A_38 : i32
      %swap3A = arith.index_cast %mul3A_39 : i32 to index
      %swap3A_40 = tpu.vector_load %arg12[%swap3A] {strides = array<i32>} : memref<128xi32, #tpu.memory_space<vmem>>, vector<16xi32>,
      tpu.vector_store %arg12[%swap3A], %scan3A_36#0 {strides = array<i32>} : memref<128xi32, #tpu.memory_space<vmem>>, vector<16xi32>,
      %mul3A_41 = arith.constant 16 : i32
      %mul3A_42 = arith.muli %scan3A_18, %mul3A_41 : i32
      %swap3A_43 = arith.index_cast %mul3A_42 : i32 to index
      %swap3A_44 = tpu.vector_load %arg13[%swap3A_43] {strides = array<i32>} : memref<128xi32, #tpu.memory_space<vmem>>, vector<16xi32>,
      tpu.vector_store %arg13[%swap3A_43], %scan3A_36#2 {strides = array<i32>} : memref<128xi32, #tpu.memory_space<vmem>>, vector<16xi32>,
    }
    %scan3A_10 = arith.constant 8 : i32
    %scan3A_11 = arith.constant 0 : i32
    %scan3A_12 = arith.constant 0x7F800000 : f32
    %scan3A_13 = arith.constant 0 : i32
    %scan3A_14 = arith.constant 128 : i32
    %scan3A_15 = arith.addi %scan3A_13, %scan3A_14 : i32
    %scan3A_16 = arith.constant 1 : i32
    scf.for %scan3A_18 = %scan3A_13 to %scan3A_15 step %scan3A_16  : i32 {
      %mul3A_19 = arith.constant 32 : i32
      %mul3A_20 = arith.muli %scan3A_18, %mul3A_19 : i32
      %add3A_21 = arith.addi %mul3A_20, %add3A : i32
      %broadcast_in_dim3A_22 = vector.broadcast %add3A_21 : i32 to vector<16xi32>
      %broadcast_in_dim3A_23 = vector.broadcast %scan3A_18 : i32 to vector<16xi32>
      %gather3A = tpu.vector_load_idx %arg12[%broadcast_in_dim3A_23] : memref<128xi32, #tpu.memory_space<vmem>>[vector<16xi32>], vector<16xi32>,
      %gather3A_24 = tpu.vector_load_idx %arg13[%broadcast_in_dim3A_23] : memref<128xi32, #tpu.memory_space<vmem>>[vector<16xi32>], vector<16xi32>,
      %gather3A_25 = tpu.vector_load_idx %arg8[%broadcast_in_dim3A_22] : memref<4160xf32, #tpu.memory_space<vmem>>[vector<16xi32>], vector<16xf32>,
      %gather3A_26 = tpu.vector_load_idx %arg9[%broadcast_in_dim3A_22] : memref<4160xf32, #tpu.memory_space<vmem>>[vector<16xi32>], vector<16xf32>,
      %gather3A_27 = tpu.vector_load_idx %arg10[%broadcast_in_dim3A_22] : memref<4160xf32, #tpu.memory_space<vmem>>[vector<16xi32>], vector<16xf32>,
      %slice3A = vector.extract_strided_slice %gather3A {offsets = [0], sizes = [1], strides = [1]} : vector<16xi32> to vector<1xi32>
      %squeeze3A = vector.extract %slice3A[0] : i32 from vector<1xi32>
      %slice3A_28 = vector.extract_strided_slice %gather3A_24 {offsets = [0], sizes = [1], strides = [1]} : vector<16xi32> to vector<1xi32>
      %squeeze3A_29 = vector.extract %slice3A_28[0] : i32 from vector<1xi32>
      %jit3A = arith.constant 16 : i32
      %div3A = arith.divsi %squeeze3A, %jit3A : i32
      %sign3A = arith.constant 0 : i32
      %sign3A_30 = arith.cmpi sgt, %squeeze3A, %sign3A : i32
      %sign3A_31 = arith.extui %sign3A_30 : i1 to i32
      %sign3A_32 = arith.constant 0 : i32
      %sign3A_33 = arith.cmpi slt, %squeeze3A, %sign3A_32 : i32
      %sign3A_34 = arith.extui %sign3A_33 : i1 to i32
      %sign3A_35 = arith.subi %sign3A_31, %sign3A_34 : i32
      %sign3A_36 = arith.constant 0 : i32
      %sign3A_37 = arith.cmpi sgt, %jit3A, %sign3A_36 : i32
      %sign3A_38 = arith.extui %sign3A_37 : i1 to i32
      %sign3A_39 = arith.constant 0 : i32
      %sign3A_40 = arith.cmpi slt, %jit3A, %sign3A_39 : i32
      %sign3A_41 = arith.extui %sign3A_40 : i1 to i32
      %sign3A_42 = arith.subi %sign3A_38, %sign3A_41 : i32
      %ne3A = arith.cmpi ne, %sign3A_35, %sign3A_42 : i32
      %rem3A = arith.remsi %squeeze3A, %jit3A : i32
      %ne3A_43 = arith.constant 0 : i32
      %ne3A_44 = arith.cmpi ne, %rem3A, %ne3A_43 : i32
      %and3A = arith.andi %ne3A, %ne3A_44 : i1
      %sub3A = arith.constant 1 : i32
      %sub3A_45 = arith.subi %div3A, %sub3A : i32
      %select_n3A = arith.select %and3A, %sub3A_45, %div3A : i32
      %add3A_46 = arith.constant 15 : i32
      %add3A_47 = arith.addi %squeeze3A_29, %add3A_46 : i32
      %jit3A_48 = arith.constant 16 : i32
      %div3A_49 = arith.divsi %add3A_47, %jit3A_48 : i32
      %sign3A_50 = arith.constant 0 : i32
      %sign3A_51 = arith.cmpi sgt, %add3A_47, %sign3A_50 : i32
      %sign3A_52 = arith.extui %sign3A_51 : i1 to i32
      %sign3A_53 = arith.constant 0 : i32
      %sign3A_54 = arith.cmpi slt, %add3A_47, %sign3A_53 : i32
      %sign3A_55 = arith.extui %sign3A_54 : i1 to i32
      %sign3A_56 = arith.subi %sign3A_52, %sign3A_55 : i32
      %sign3A_57 = arith.constant 0 : i32
      %sign3A_58 = arith.cmpi sgt, %jit3A_48, %sign3A_57 : i32
      %sign3A_59 = arith.extui %sign3A_58 : i1 to i32
      %sign3A_60 = arith.constant 0 : i32
      %sign3A_61 = arith.cmpi slt, %jit3A_48, %sign3A_60 : i32
      %sign3A_62 = arith.extui %sign3A_61 : i1 to i32
      %sign3A_63 = arith.subi %sign3A_59, %sign3A_62 : i32
      %ne3A_64 = arith.cmpi ne, %sign3A_56, %sign3A_63 : i32
      %rem3A_65 = arith.remsi %add3A_47, %jit3A_48 : i32
      %ne3A_66 = arith.constant 0 : i32
      %ne3A_67 = arith.cmpi ne, %rem3A_65, %ne3A_66 : i32
      %and3A_68 = arith.andi %ne3A_64, %ne3A_67 : i1
      %sub3A_69 = arith.constant 1 : i32
      %sub3A_70 = arith.subi %div3A_49, %sub3A_69 : i32
      %select_n3A_71 = arith.select %and3A_68, %sub3A_70, %div3A_49 : i32
      %sub3A_72 = arith.subi %select_n3A_71, %select_n3A : i32
      %le3A = arith.constant 4 : i32
      %le3A_73 = arith.cmpi sle, %sub3A_72, %le3A : i32
      %convert_element_type3A = arith.extui %le3A_73 : i1 to i32
      %cond3A = arith.constant 0 : i32
      %cond3A_74 = arith.cmpi ne, %convert_element_type3A, %cond3A : i32
      scf.if %cond3A_74 {
        %mul3A_80 = arith.constant 16 : i32
        %mul3A_81 = arith.muli %select_n3A, %mul3A_80 : i32
        %add3A_82 = arith.constant 0 : i32
        %add3A_83 = arith.addi %mul3A_81, %add3A_82 : i32
        %multiple_of3A = tpu.assume_multiple %add3A_83, 16 : i32
        %add3A_84 = vector.broadcast %multiple_of3A : i32 to vector<16xi32>
        %add3A_85 = arith.addi %add3A_84, %iota3A : vector<16xi32>
        %get3A = arith.index_cast %multiple_of3A : i32 to index
        %get3A_86 = tpu.vector_load %arg8[%get3A] {strides = array<i32>} : memref<4160xf32, #tpu.memory_space<vmem>>, vector<16xf32>,
        %sub3A_87 = arith.subf %gather3A_25, %get3A_86 : vector<16xf32>
        %get3A_88 = arith.index_cast %multiple_of3A : i32 to index
        %get3A_89 = tpu.vector_load %arg9[%get3A_88] {strides = array<i32>} : memref<4160xf32, #tpu.memory_space<vmem>>, vector<16xf32>,
        %sub3A_90 = arith.subf %gather3A_26, %get3A_89 : vector<16xf32>
        %get3A_91 = arith.index_cast %multiple_of3A : i32 to index
        %get3A_92 = tpu.vector_load %arg10[%get3A_91] {strides = array<i32>} : memref<4160xf32, #tpu.memory_space<vmem>>, vector<16xf32>,
        %sub3A_93 = arith.subf %gather3A_27, %get3A_92 : vector<16xf32>
        %mul3A_94 = arith.mulf %sub3A_87, %sub3A_87 : vector<16xf32>
        %mul3A_95 = arith.mulf %sub3A_90, %sub3A_90 : vector<16xf32>
        %add3A_96 = arith.addf %mul3A_94, %mul3A_95 : vector<16xf32>
        %mul3A_97 = arith.mulf %sub3A_93, %sub3A_93 : vector<16xf32>
        %add3A_98 = arith.addf %add3A_96, %mul3A_97 : vector<16xf32>
        %ge3A = arith.cmpi sge, %add3A_85, %gather3A : vector<16xi32>
        %lt3A = arith.cmpi slt, %add3A_85, %gather3A_24 : vector<16xi32>
        %and3A_99 = arith.andi %ge3A, %lt3A : vector<16xi1>
        %ne3A_100 = arith.cmpi ne, %add3A_85, %broadcast_in_dim3A_22 : vector<16xi32>
        %and3A_101 = arith.andi %and3A_99, %ne3A_100 : vector<16xi1>
        %lt3A_102 = arith.constant 4.000000e+00 : f32
        %lt3A_103 = vector.broadcast %lt3A_102 : f32 to vector<16xf32>
        %lt3A_104 = arith.cmpf olt, %add3A_98, %lt3A_103 : vector<16xf32>
        %and3A_105 = arith.andi %and3A_101, %lt3A_104 : vector<16xi1>
        %broadcast_in_dim3A_106 = vector.broadcast %scan3A_12 : f32 to vector<16xf32>
        %select_n3A_107 = arith.select %and3A_105, %add3A_98, %broadcast_in_dim3A_106 : vector<16xi1>, vector<16xf32>
        %masked_sort3A = arith.constant dense<true> : vector<16xi1>
        %masked_sort3A_108, %masked_sort3A_109, %masked_sort3A_110 = tpu.sort %select_n3A_107, %add3A_85 masked %masked_sort3A : (vector<16xf32>, vector<16xi32>, vector<16xi1>) -> (vector<16xi1>, vector<16xf32>, vector<16xi32>)
        %mul3A_111 = arith.constant 16 : i32
        %mul3A_112 = arith.muli %select_n3A, %mul3A_111 : i32
        %add3A_113 = arith.constant 16 : i32
        %add3A_114 = arith.addi %mul3A_112, %add3A_113 : i32
        %multiple_of3A_115 = tpu.assume_multiple %add3A_114, 16 : i32
        %add3A_116 = vector.broadcast %multiple_of3A_115 : i32 to vector<16xi32>
        %add3A_117 = arith.addi %add3A_116, %iota3A : vector<16xi32>
        %get3A_118 = arith.index_cast %multiple_of3A_115 : i32 to index
        %get3A_119 = tpu.vector_load %arg8[%get3A_118] {strides = array<i32>} : memref<4160xf32, #tpu.memory_space<vmem>>, vector<16xf32>,
        %sub3A_120 = arith.subf %gather3A_25, %get3A_119 : vector<16xf32>
        %get3A_121 = arith.index_cast %multiple_of3A_115 : i32 to index
        %get3A_122 = tpu.vector_load %arg9[%get3A_121] {strides = array<i32>} : memref<4160xf32, #tpu.memory_space<vmem>>, vector<16xf32>,
        %sub3A_123 = arith.subf %gather3A_26, %get3A_122 : vector<16xf32>
        %get3A_124 = arith.index_cast %multiple_of3A_115 : i32 to index
        %get3A_125 = tpu.vector_load %arg10[%get3A_124] {strides = array<i32>} : memref<4160xf32, #tpu.memory_space<vmem>>, vector<16xf32>,
        %sub3A_126 = arith.subf %gather3A_27, %get3A_125 : vector<16xf32>
        %mul3A_127 = arith.mulf %sub3A_120, %sub3A_120 : vector<16xf32>
        %mul3A_128 = arith.mulf %sub3A_123, %sub3A_123 : vector<16xf32>
        %add3A_129 = arith.addf %mul3A_127, %mul3A_128 : vector<16xf32>
        %mul3A_130 = arith.mulf %sub3A_126, %sub3A_126 : vector<16xf32>
        %add3A_131 = arith.addf %add3A_129, %mul3A_130 : vector<16xf32>
        %ge3A_132 = arith.cmpi sge, %add3A_117, %gather3A : vector<16xi32>
        %lt3A_133 = arith.cmpi slt, %add3A_117, %gather3A_24 : vector<16xi32>
        %and3A_134 = arith.andi %ge3A_132, %lt3A_133 : vector<16xi1>
        %ne3A_135 = arith.cmpi ne, %add3A_117, %broadcast_in_dim3A_22 : vector<16xi32>
        %and3A_136 = arith.andi %and3A_134, %ne3A_135 : vector<16xi1>
        %lt3A_137 = arith.constant 4.000000e+00 : f32
        %lt3A_138 = vector.broadcast %lt3A_137 : f32 to vector<16xf32>
        %lt3A_139 = arith.cmpf olt, %add3A_131, %lt3A_138 : vector<16xf32>
        %and3A_140 = arith.andi %and3A_136, %lt3A_139 : vector<16xi1>
        %broadcast_in_dim3A_141 = vector.broadcast %scan3A_12 : f32 to vector<16xf32>
        %select_n3A_142 = arith.select %and3A_140, %add3A_131, %broadcast_in_dim3A_141 : vector<16xi1>, vector<16xf32>
        %masked_sort3A_143 = arith.constant dense<true> : vector<16xi1>
        %masked_sort3A_144, %masked_sort3A_145, %masked_sort3A_146 = tpu.sort %select_n3A_142, %add3A_117 masked %masked_sort3A_143 : (vector<16xf32>, vector<16xi32>, vector<16xi1>) -> (vector<16xi1>, vector<16xf32>, vector<16xi32>)
        %mul3A_147 = arith.constant 16 : i32
        %mul3A_148 = arith.muli %select_n3A, %mul3A_147 : i32
        %add3A_149 = arith.constant 32 : i32
        %add3A_150 = arith.addi %mul3A_148, %add3A_149 : i32
        %multiple_of3A_151 = tpu.assume_multiple %add3A_150, 16 : i32
        %add3A_152 = vector.broadcast %multiple_of3A_151 : i32 to vector<16xi32>
        %add3A_153 = arith.addi %add3A_152, %iota3A : vector<16xi32>
        %get3A_154 = arith.index_cast %multiple_of3A_151 : i32 to index
        %get3A_155 = tpu.vector_load %arg8[%get3A_154] {strides = array<i32>} : memref<4160xf32, #tpu.memory_space<vmem>>, vector<16xf32>,
        %sub3A_156 = arith.subf %gather3A_25, %get3A_155 : vector<16xf32>
        %get3A_157 = arith.index_cast %multiple_of3A_151 : i32 to index
        %get3A_158 = tpu.vector_load %arg9[%get3A_157] {strides = array<i32>} : memref<4160xf32, #tpu.memory_space<vmem>>, vector<16xf32>,
        %sub3A_159 = arith.subf %gather3A_26, %get3A_158 : vector<16xf32>
        %get3A_160 = arith.index_cast %multiple_of3A_151 : i32 to index
        %get3A_161 = tpu.vector_load %arg10[%get3A_160] {strides = array<i32>} : memref<4160xf32, #tpu.memory_space<vmem>>, vector<16xf32>,
        %sub3A_162 = arith.subf %gather3A_27, %get3A_161 : vector<16xf32>
        %mul3A_163 = arith.mulf %sub3A_156, %sub3A_156 : vector<16xf32>
        %mul3A_164 = arith.mulf %sub3A_159, %sub3A_159 : vector<16xf32>
        %add3A_165 = arith.addf %mul3A_163, %mul3A_164 : vector<16xf32>
        %mul3A_166 = arith.mulf %sub3A_162, %sub3A_162 : vector<16xf32>
        %add3A_167 = arith.addf %add3A_165, %mul3A_166 : vector<16xf32>
        %ge3A_168 = arith.cmpi sge, %add3A_153, %gather3A : vector<16xi32>
        %lt3A_169 = arith.cmpi slt, %add3A_153, %gather3A_24 : vector<16xi32>
        %and3A_170 = arith.andi %ge3A_168, %lt3A_169 : vector<16xi1>
        %ne3A_171 = arith.cmpi ne, %add3A_153, %broadcast_in_dim3A_22 : vector<16xi32>
        %and3A_172 = arith.andi %and3A_170, %ne3A_171 : vector<16xi1>
        %lt3A_173 = arith.constant 4.000000e+00 : f32
        %lt3A_174 = vector.broadcast %lt3A_173 : f32 to vector<16xf32>
        %lt3A_175 = arith.cmpf olt, %add3A_167, %lt3A_174 : vector<16xf32>
        %and3A_176 = arith.andi %and3A_172, %lt3A_175 : vector<16xi1>
        %broadcast_in_dim3A_177 = vector.broadcast %scan3A_12 : f32 to vector<16xf32>
        %select_n3A_178 = arith.select %and3A_176, %add3A_167, %broadcast_in_dim3A_177 : vector<16xi1>, vector<16xf32>
        %masked_sort3A_179 = arith.constant dense<true> : vector<16xi1>
        %masked_sort3A_180, %masked_sort3A_181, %masked_sort3A_182 = tpu.sort %select_n3A_178, %add3A_153 masked %masked_sort3A_179 : (vector<16xf32>, vector<16xi32>, vector<16xi1>) -> (vector<16xi1>, vector<16xf32>, vector<16xi32>)
        %mul3A_183 = arith.constant 16 : i32
        %mul3A_184 = arith.muli %select_n3A, %mul3A_183 : i32
        %add3A_185 = arith.constant 48 : i32
        %add3A_186 = arith.addi %mul3A_184, %add3A_185 : i32
        %multiple_of3A_187 = tpu.assume_multiple %add3A_186, 16 : i32
        %add3A_188 = vector.broadcast %multiple_of3A_187 : i32 to vector<16xi32>
        %add3A_189 = arith.addi %add3A_188, %iota3A : vector<16xi32>
        %get3A_190 = arith.index_cast %multiple_of3A_187 : i32 to index
        %get3A_191 = tpu.vector_load %arg8[%get3A_190] {strides = array<i32>} : memref<4160xf32, #tpu.memory_space<vmem>>, vector<16xf32>,
        %sub3A_192 = arith.subf %gather3A_25, %get3A_191 : vector<16xf32>
        %get3A_193 = arith.index_cast %multiple_of3A_187 : i32 to index
        %get3A_194 = tpu.vector_load %arg9[%get3A_193] {strides = array<i32>} : memref<4160xf32, #tpu.memory_space<vmem>>, vector<16xf32>,
        %sub3A_195 = arith.subf %gather3A_26, %get3A_194 : vector<16xf32>
        %get3A_196 = arith.index_cast %multiple_of3A_187 : i32 to index
        %get3A_197 = tpu.vector_load %arg10[%get3A_196] {strides = array<i32>} : memref<4160xf32, #tpu.memory_space<vmem>>, vector<16xf32>,
        %sub3A_198 = arith.subf %gather3A_27, %get3A_197 : vector<16xf32>
        %mul3A_199 = arith.mulf %sub3A_192, %sub3A_192 : vector<16xf32>
        %mul3A_200 = arith.mulf %sub3A_195, %sub3A_195 : vector<16xf32>
        %add3A_201 = arith.addf %mul3A_199, %mul3A_200 : vector<16xf32>
        %mul3A_202 = arith.mulf %sub3A_198, %sub3A_198 : vector<16xf32>
        %add3A_203 = arith.addf %add3A_201, %mul3A_202 : vector<16xf32>
        %ge3A_204 = arith.cmpi sge, %add3A_189, %gather3A : vector<16xi32>
        %lt3A_205 = arith.cmpi slt, %add3A_189, %gather3A_24 : vector<16xi32>
        %and3A_206 = arith.andi %ge3A_204, %lt3A_205 : vector<16xi1>
        %ne3A_207 = arith.cmpi ne, %add3A_189, %broadcast_in_dim3A_22 : vector<16xi32>
        %and3A_208 = arith.andi %and3A_206, %ne3A_207 : vector<16xi1>
        %lt3A_209 = arith.constant 4.000000e+00 : f32
        %lt3A_210 = vector.broadcast %lt3A_209 : f32 to vector<16xf32>
        %lt3A_211 = arith.cmpf olt, %add3A_203, %lt3A_210 : vector<16xf32>
        %and3A_212 = arith.andi %and3A_208, %lt3A_211 : vector<16xi1>
        %broadcast_in_dim3A_213 = vector.broadcast %scan3A_12 : f32 to vector<16xf32>
        %select_n3A_214 = arith.select %and3A_212, %add3A_203, %broadcast_in_dim3A_213 : vector<16xi1>, vector<16xf32>
        %masked_sort3A_215 = arith.constant dense<true> : vector<16xi1>
        %masked_sort3A_216, %masked_sort3A_217, %masked_sort3A_218 = tpu.sort %select_n3A_214, %add3A_189 masked %masked_sort3A_215 : (vector<16xf32>, vector<16xi32>, vector<16xi1>) -> (vector<16xi1>, vector<16xf32>, vector<16xi32>)
        %rev3A = arith.constant 15 : i32
        %rev3A_219 = vector.broadcast %rev3A : i32 to vector<16xi32>
        %rev3A_220 = tpu.iota {dimensions = array<i32: 0>} : vector<16xi32>
        %rev3A_221 = arith.subi %rev3A_219, %rev3A_220 : vector<16xi32>
        %rev3A_222 = tpu.dynamic_gather %masked_sort3A_145[%rev3A_221] in [0] : vector<16xf32>, vector<16xi32> -> vector<16xf32>
        %rev3A_223 = arith.constant 15 : i32
        %rev3A_224 = vector.broadcast %rev3A_223 : i32 to vector<16xi32>
        %rev3A_225 = tpu.iota {dimensions = array<i32: 0>} : vector<16xi32>
        %rev3A_226 = arith.subi %rev3A_224, %rev3A_225 : vector<16xi32>
        %rev3A_227 = tpu.dynamic_gather %masked_sort3A_146[%rev3A_226] in [0] : vector<16xi32>, vector<16xi32> -> vector<16xi32>
        %le3A_228 = arith.cmpf ole, %masked_sort3A_109, %rev3A_222 : vector<16xf32>
        %min3A = arith.minimumf %masked_sort3A_109, %rev3A_222 : vector<16xf32>
        %max3A = arith.maximumf %masked_sort3A_109, %rev3A_222 : vector<16xf32>
        %select_n3A_229 = arith.select %le3A_228, %masked_sort3A_110, %rev3A_227 : vector<16xi1>, vector<16xi32>
        %select_n3A_230 = arith.select %le3A_228, %rev3A_227, %masked_sort3A_110 : vector<16xi1>, vector<16xi32>
        %masked_sort3A_231 = arith.constant dense<true> : vector<16xi1>
        %masked_sort3A_232, %masked_sort3A_233, %masked_sort3A_234 = tpu.sort %min3A, %select_n3A_229 masked %masked_sort3A_231 : (vector<16xf32>, vector<16xi32>, vector<16xi1>) -> (vector<16xi1>, vector<16xf32>, vector<16xi32>)
        %masked_sort3A_235 = arith.constant dense<true> : vector<16xi1>
        %masked_sort3A_236, %masked_sort3A_237, %masked_sort3A_238 = tpu.sort %max3A, %select_n3A_230 masked %masked_sort3A_235 : (vector<16xf32>, vector<16xi32>, vector<16xi1>) -> (vector<16xi1>, vector<16xf32>, vector<16xi32>)
        %rev3A_239 = arith.constant 15 : i32
        %rev3A_240 = vector.broadcast %rev3A_239 : i32 to vector<16xi32>
        %rev3A_241 = tpu.iota {dimensions = array<i32: 0>} : vector<16xi32>
        %rev3A_242 = arith.subi %rev3A_240, %rev3A_241 : vector<16xi32>
        %rev3A_243 = tpu.dynamic_gather %masked_sort3A_217[%rev3A_242] in [0] : vector<16xf32>, vector<16xi32> -> vector<16xf32>
        %rev3A_244 = arith.constant 15 : i32
        %rev3A_245 = vector.broadcast %rev3A_244 : i32 to vector<16xi32>
        %rev3A_246 = tpu.iota {dimensions = array<i32: 0>} : vector<16xi32>
        %rev3A_247 = arith.subi %rev3A_245, %rev3A_246 : vector<16xi32>
        %rev3A_248 = tpu.dynamic_gather %masked_sort3A_218[%rev3A_247] in [0] : vector<16xi32>, vector<16xi32> -> vector<16xi32>
        %le3A_249 = arith.cmpf ole, %masked_sort3A_181, %rev3A_243 : vector<16xf32>
        %min3A_250 = arith.minimumf %masked_sort3A_181, %rev3A_243 : vector<16xf32>
        %max3A_251 = arith.maximumf %masked_sort3A_181, %rev3A_243 : vector<16xf32>
        %select_n3A_252 = arith.select %le3A_249, %masked_sort3A_182, %rev3A_248 : vector<16xi1>, vector<16xi32>
        %select_n3A_253 = arith.select %le3A_249, %rev3A_248, %masked_sort3A_182 : vector<16xi1>, vector<16xi32>
        %masked_sort3A_254 = arith.constant dense<true> : vector<16xi1>
        %masked_sort3A_255, %masked_sort3A_256, %masked_sort3A_257 = tpu.sort %min3A_250, %select_n3A_252 masked %masked_sort3A_254 : (vector<16xf32>, vector<16xi32>, vector<16xi1>) -> (vector<16xi1>, vector<16xf32>, vector<16xi32>)
        %masked_sort3A_258 = arith.constant dense<true> : vector<16xi1>
        %masked_sort3A_259, %masked_sort3A_260, %masked_sort3A_261 = tpu.sort %max3A_251, %select_n3A_253 masked %masked_sort3A_258 : (vector<16xf32>, vector<16xi32>, vector<16xi1>) -> (vector<16xi1>, vector<16xf32>, vector<16xi32>)
        %rev3A_262 = arith.constant 15 : i32
        %rev3A_263 = vector.broadcast %rev3A_262 : i32 to vector<16xi32>
        %rev3A_264 = tpu.iota {dimensions = array<i32: 0>} : vector<16xi32>
        %rev3A_265 = arith.subi %rev3A_263, %rev3A_264 : vector<16xi32>
        %rev3A_266 = tpu.dynamic_gather %masked_sort3A_260[%rev3A_265] in [0] : vector<16xf32>, vector<16xi32> -> vector<16xf32>
        %rev3A_267 = arith.constant 15 : i32
        %rev3A_268 = vector.broadcast %rev3A_267 : i32 to vector<16xi32>
        %rev3A_269 = tpu.iota {dimensions = array<i32: 0>} : vector<16xi32>
        %rev3A_270 = arith.subi %rev3A_268, %rev3A_269 : vector<16xi32>
        %rev3A_271 = tpu.dynamic_gather %masked_sort3A_261[%rev3A_270] in [0] : vector<16xi32>, vector<16xi32> -> vector<16xi32>
        %rev3A_272 = arith.constant 15 : i32
        %rev3A_273 = vector.broadcast %rev3A_272 : i32 to vector<16xi32>
        %rev3A_274 = tpu.iota {dimensions = array<i32: 0>} : vector<16xi32>
        %rev3A_275 = arith.subi %rev3A_273, %rev3A_274 : vector<16xi32>
        %rev3A_276 = tpu.dynamic_gather %masked_sort3A_256[%rev3A_275] in [0] : vector<16xf32>, vector<16xi32> -> vector<16xf32>
        %rev3A_277 = arith.constant 15 : i32
        %rev3A_278 = vector.broadcast %rev3A_277 : i32 to vector<16xi32>
        %rev3A_279 = tpu.iota {dimensions = array<i32: 0>} : vector<16xi32>
        %rev3A_280 = arith.subi %rev3A_278, %rev3A_279 : vector<16xi32>
        %rev3A_281 = tpu.dynamic_gather %masked_sort3A_257[%rev3A_280] in [0] : vector<16xi32>, vector<16xi32> -> vector<16xi32>
        %le3A_282 = arith.cmpf ole, %masked_sort3A_233, %rev3A_266 : vector<16xf32>
        %min3A_283 = arith.minimumf %masked_sort3A_233, %rev3A_266 : vector<16xf32>
        %select_n3A_284 = arith.select %le3A_282, %masked_sort3A_234, %rev3A_271 : vector<16xi1>, vector<16xi32>
        %le3A_285 = arith.cmpf ole, %masked_sort3A_237, %rev3A_276 : vector<16xf32>
        %min3A_286 = arith.minimumf %masked_sort3A_237, %rev3A_276 : vector<16xf32>
        %select_n3A_287 = arith.select %le3A_285, %masked_sort3A_238, %rev3A_281 : vector<16xi1>, vector<16xi32>
        %le3A_288 = arith.cmpf ole, %min3A_283, %min3A_286 : vector<16xf32>
        %min3A_289 = arith.minimumf %min3A_283, %min3A_286 : vector<16xf32>
        %max3A_290 = arith.maximumf %min3A_283, %min3A_286 : vector<16xf32>
        %select_n3A_291 = arith.select %le3A_288, %select_n3A_284, %select_n3A_287 : vector<16xi1>, vector<16xi32>
        %select_n3A_292 = arith.select %le3A_288, %select_n3A_287, %select_n3A_284 : vector<16xi1>, vector<16xi32>
        %masked_sort3A_293 = arith.constant dense<true> : vector<16xi1>
        %masked_sort3A_294, %masked_sort3A_295, %masked_sort3A_296 = tpu.sort %min3A_289, %select_n3A_291 masked %masked_sort3A_293 : (vector<16xf32>, vector<16xi32>, vector<16xi1>) -> (vector<16xi1>, vector<16xf32>, vector<16xi32>)
        %masked_sort3A_297 = arith.constant dense<true> : vector<16xi1>
        %masked_sort3A_298, %masked_sort3A_299, %masked_sort3A_300 = tpu.sort %max3A_290, %select_n3A_292 masked %masked_sort3A_297 : (vector<16xf32>, vector<16xi32>, vector<16xi1>) -> (vector<16xi1>, vector<16xf32>, vector<16xi32>)
        %eq3A = vector.broadcast %scan3A_12 : f32 to vector<16xf32>
        %eq3A_301 = arith.cmpf oeq, %masked_sort3A_295, %eq3A : vector<16xf32>
        %eq3A_302 = vector.broadcast %scan3A_12 : f32 to vector<16xf32>
        %eq3A_303 = arith.cmpf oeq, %masked_sort3A_299, %eq3A_302 : vector<16xf32>
        %select_n3A_304 = arith.select %eq3A_301, %broadcast_in_dim3A_22, %masked_sort3A_296 : vector<16xi1>, vector<16xi32>
        %swap3A = arith.index_cast %scan3A_18 : i32 to index
        %swap3A_305 = arith.constant 0 : index
        %swap3A_306 = tpu.vector_load %arg14[%swap3A, %swap3A_305] {strides = array<i32>} : memref<128x32xi32, #tpu.memory_space<vmem>>, vector<16xi32>,
        tpu.vector_store %arg14[%swap3A, %swap3A_305], %select_n3A_304 {strides = array<i32>} : memref<128x32xi32, #tpu.memory_space<vmem>>, vector<16xi32>,
        %select_n3A_307 = arith.select %eq3A_301, %broadcast_in_dim3A_3, %masked_sort3A_295 : vector<16xi1>, vector<16xf32>
        %swap3A_308 = arith.index_cast %scan3A_18 : i32 to index
        %swap3A_309 = arith.constant 0 : index
        %swap3A_310 = tpu.vector_load %arg15[%swap3A_308, %swap3A_309] {strides = array<i32>} : memref<128x32xf32, #tpu.memory_space<vmem>>, vector<16xf32>,
        tpu.vector_store %arg15[%swap3A_308, %swap3A_309], %select_n3A_307 {strides = array<i32>} : memref<128x32xf32, #tpu.memory_space<vmem>>, vector<16xf32>,
        %select_n3A_311 = arith.select %eq3A_303, %broadcast_in_dim3A_22, %masked_sort3A_300 : vector<16xi1>, vector<16xi32>
        %swap3A_312 = arith.index_cast %scan3A_18 : i32 to index
        %swap3A_313 = arith.constant 16 : index
        %swap3A_314 = tpu.vector_load %arg14[%swap3A_312, %swap3A_313] {strides = array<i32>} : memref<128x32xi32, #tpu.memory_space<vmem>>, vector<16xi32>,
        tpu.vector_store %arg14[%swap3A_312, %swap3A_313], %select_n3A_311 {strides = array<i32>} : memref<128x32xi32, #tpu.memory_space<vmem>>, vector<16xi32>,
        %select_n3A_315 = arith.select %eq3A_303, %broadcast_in_dim3A_3, %masked_sort3A_299 : vector<16xi1>, vector<16xf32>
        %swap3A_316 = arith.index_cast %scan3A_18 : i32 to index
        %swap3A_317 = arith.constant 16 : index
        %swap3A_318 = tpu.vector_load %arg15[%swap3A_316, %swap3A_317] {strides = array<i32>} : memref<128x32xf32, #tpu.memory_space<vmem>>, vector<16xf32>,
        tpu.vector_store %arg15[%swap3A_316, %swap3A_317], %select_n3A_315 {strides = array<i32>} : memref<128x32xf32, #tpu.memory_space<vmem>>, vector<16xf32>,
      } else {
      }
      %sub3A_75 = arith.subi %select_n3A_71, %select_n3A : i32
      %gt3A = arith.constant 4 : i32
      %gt3A_76 = arith.cmpi sgt, %sub3A_75, %gt3A : i32
      %convert_element_type3A_77 = arith.extui %gt3A_76 : i1 to i32
      %cond3A_78 = arith.constant 0 : i32
      %cond3A_79 = arith.cmpi ne, %convert_element_type3A_77, %cond3A_78 : i32
      scf.if %cond3A_79 {
        %while3A = arith.subi %select_n3A_71, %select_n3A : i32
        %while3A_80 = arith.addi %select_n3A, %while3A : i32
        %while3A_81 = arith.constant 1 : i32
        %while3A_82 = arith.divsi %while3A, %while3A_81 : i32
        %while3A_83 = arith.muli %while3A_82, %while3A_81 : i32
        %while3A_84 = arith.addi %select_n3A, %while3A_83 : i32
        %while3A_85 = arith.constant 1 : i32
        %while3A_86:4 = scf.for %while3A_107 = %select_n3A to %while3A_84 step %while3A_85 iter_args(%while3A_108 = %broadcast_in_dim3A_1, %while3A_109 = %broadcast_in_dim3A_5, %while3A_110 = %broadcast_in_dim3A_1, %while3A_111 = %broadcast_in_dim3A_5) -> (vector<16xf32>, vector<16xi32>, vector<16xf32>, vector<16xi32>)  : i32 {
          %mul3A_112 = arith.constant 16 : i32
          %mul3A_113 = arith.muli %while3A_107, %mul3A_112 : i32
          %multiple_of3A = tpu.assume_multiple %mul3A_113, 16 : i32
          %add3A_114 = vector.broadcast %multiple_of3A : i32 to vector<16xi32>
          %add3A_115 = arith.addi %add3A_114, %iota3A : vector<16xi32>
          %get3A = arith.index_cast %multiple_of3A : i32 to index
          %get3A_116 = tpu.vector_load %arg8[%get3A] {strides = array<i32>} : memref<4160xf32, #tpu.memory_space<vmem>>, vector<16xf32>,
          %sub3A_117 = arith.subf %gather3A_25, %get3A_116 : vector<16xf32>
          %get3A_118 = arith.index_cast %multiple_of3A : i32 to index
          %get3A_119 = tpu.vector_load %arg9[%get3A_118] {strides = array<i32>} : memref<4160xf32, #tpu.memory_space<vmem>>, vector<16xf32>,
          %sub3A_120 = arith.subf %gather3A_26, %get3A_119 : vector<16xf32>
          %get3A_121 = arith.index_cast %multiple_of3A : i32 to index
          %get3A_122 = tpu.vector_load %arg10[%get3A_121] {strides = array<i32>} : memref<4160xf32, #tpu.memory_space<vmem>>, vector<16xf32>,
          %sub3A_123 = arith.subf %gather3A_27, %get3A_122 : vector<16xf32>
          %mul3A_124 = arith.mulf %sub3A_117, %sub3A_117 : vector<16xf32>
          %mul3A_125 = arith.mulf %sub3A_120, %sub3A_120 : vector<16xf32>
          %add3A_126 = arith.addf %mul3A_124, %mul3A_125 : vector<16xf32>
          %mul3A_127 = arith.mulf %sub3A_123, %sub3A_123 : vector<16xf32>
          %add3A_128 = arith.addf %add3A_126, %mul3A_127 : vector<16xf32>
          %ge3A = arith.cmpi sge, %add3A_115, %gather3A : vector<16xi32>
          %lt3A = arith.cmpi slt, %add3A_115, %gather3A_24 : vector<16xi32>
          %and3A_129 = arith.andi %ge3A, %lt3A : vector<16xi1>
          %ne3A_130 = arith.cmpi ne, %add3A_115, %broadcast_in_dim3A_22 : vector<16xi32>
          %and3A_131 = arith.andi %and3A_129, %ne3A_130 : vector<16xi1>
          %lt3A_132 = arith.constant 4.000000e+00 : f32
          %lt3A_133 = vector.broadcast %lt3A_132 : f32 to vector<16xf32>
          %lt3A_134 = arith.cmpf olt, %add3A_128, %lt3A_133 : vector<16xf32>
          %and3A_135 = arith.andi %and3A_131, %lt3A_134 : vector<16xi1>
          %broadcast_in_dim3A_136 = vector.broadcast %scan3A_12 : f32 to vector<16xf32>
          %select_n3A_137 = arith.select %and3A_135, %add3A_128, %broadcast_in_dim3A_136 : vector<16xi1>, vector<16xf32>
          %masked_sort3A = arith.constant dense<true> : vector<16xi1>
          %masked_sort3A_138, %masked_sort3A_139, %masked_sort3A_140 = tpu.sort %select_n3A_137, %add3A_115 masked %masked_sort3A : (vector<16xf32>, vector<16xi32>, vector<16xi1>) -> (vector<16xi1>, vector<16xf32>, vector<16xi32>)
          %rev3A = arith.constant 15 : i32
          %rev3A_141 = vector.broadcast %rev3A : i32 to vector<16xi32>
          %rev3A_142 = tpu.iota {dimensions = array<i32: 0>} : vector<16xi32>
          %rev3A_143 = arith.subi %rev3A_141, %rev3A_142 : vector<16xi32>
          %rev3A_144 = tpu.dynamic_gather %masked_sort3A_139[%rev3A_143] in [0] : vector<16xf32>, vector<16xi32> -> vector<16xf32>
          %rev3A_145 = arith.constant 15 : i32
          %rev3A_146 = vector.broadcast %rev3A_145 : i32 to vector<16xi32>
          %rev3A_147 = tpu.iota {dimensions = array<i32: 0>} : vector<16xi32>
          %rev3A_148 = arith.subi %rev3A_146, %rev3A_147 : vector<16xi32>
          %rev3A_149 = tpu.dynamic_gather %masked_sort3A_140[%rev3A_148] in [0] : vector<16xi32>, vector<16xi32> -> vector<16xi32>
          %le3A_150 = arith.cmpf ole, %while3A_110, %rev3A_144 : vector<16xf32>
          %min3A = arith.minimumf %while3A_110, %rev3A_144 : vector<16xf32>
          %select_n3A_151 = arith.select %le3A_150, %while3A_111, %rev3A_149 : vector<16xi1>, vector<16xi32>
          %le3A_152 = arith.cmpf ole, %while3A_108, %min3A : vector<16xf32>
          %min3A_153 = arith.minimumf %while3A_108, %min3A : vector<16xf32>
          %max3A = arith.maximumf %while3A_108, %min3A : vector<16xf32>
          %select_n3A_154 = arith.select %le3A_152, %while3A_109, %select_n3A_151 : vector<16xi1>, vector<16xi32>
          %select_n3A_155 = arith.select %le3A_152, %select_n3A_151, %while3A_109 : vector<16xi1>, vector<16xi32>
          %masked_sort3A_156 = arith.constant dense<true> : vector<16xi1>
          %masked_sort3A_157, %masked_sort3A_158, %masked_sort3A_159 = tpu.sort %min3A_153, %select_n3A_154 masked %masked_sort3A_156 : (vector<16xf32>, vector<16xi32>, vector<16xi1>) -> (vector<16xi1>, vector<16xf32>, vector<16xi32>)
          %masked_sort3A_160 = arith.constant dense<true> : vector<16xi1>
          %masked_sort3A_161, %masked_sort3A_162, %masked_sort3A_163 = tpu.sort %max3A, %select_n3A_155 masked %masked_sort3A_160 : (vector<16xf32>, vector<16xi32>, vector<16xi1>) -> (vector<16xi1>, vector<16xf32>, vector<16xi32>)
          scf.yield %masked_sort3A_158, %masked_sort3A_159, %masked_sort3A_162, %masked_sort3A_163 : vector<16xf32>, vector<16xi32>, vector<16xf32>, vector<16xi32>
        }
        %while3A_87 = arith.constant 1 : i32
        %while3A_88:4 = scf.for %while3A_107 = %while3A_84 to %while3A_80 step %while3A_87 iter_args(%while3A_108 = %while3A_86#0, %while3A_109 = %while3A_86#1, %while3A_110 = %while3A_86#2, %while3A_111 = %while3A_86#3) -> (vector<16xf32>, vector<16xi32>, vector<16xf32>, vector<16xi32>)  : i32 {
          %mul3A_112 = arith.constant 16 : i32
          %mul3A_113 = arith.muli %while3A_107, %mul3A_112 : i32
          %multiple_of3A = tpu.assume_multiple %mul3A_113, 16 : i32
          %add3A_114 = vector.broadcast %multiple_of3A : i32 to vector<16xi32>
          %add3A_115 = arith.addi %add3A_114, %iota3A : vector<16xi32>
          %get3A = arith.index_cast %multiple_of3A : i32 to index
          %get3A_116 = tpu.vector_load %arg8[%get3A] {strides = array<i32>} : memref<4160xf32, #tpu.memory_space<vmem>>, vector<16xf32>,
          %sub3A_117 = arith.subf %gather3A_25, %get3A_116 : vector<16xf32>
          %get3A_118 = arith.index_cast %multiple_of3A : i32 to index
          %get3A_119 = tpu.vector_load %arg9[%get3A_118] {strides = array<i32>} : memref<4160xf32, #tpu.memory_space<vmem>>, vector<16xf32>,
          %sub3A_120 = arith.subf %gather3A_26, %get3A_119 : vector<16xf32>
          %get3A_121 = arith.index_cast %multiple_of3A : i32 to index
          %get3A_122 = tpu.vector_load %arg10[%get3A_121] {strides = array<i32>} : memref<4160xf32, #tpu.memory_space<vmem>>, vector<16xf32>,
          %sub3A_123 = arith.subf %gather3A_27, %get3A_122 : vector<16xf32>
          %mul3A_124 = arith.mulf %sub3A_117, %sub3A_117 : vector<16xf32>
          %mul3A_125 = arith.mulf %sub3A_120, %sub3A_120 : vector<16xf32>
          %add3A_126 = arith.addf %mul3A_124, %mul3A_125 : vector<16xf32>
          %mul3A_127 = arith.mulf %sub3A_123, %sub3A_123 : vector<16xf32>
          %add3A_128 = arith.addf %add3A_126, %mul3A_127 : vector<16xf32>
          %ge3A = arith.cmpi sge, %add3A_115, %gather3A : vector<16xi32>
          %lt3A = arith.cmpi slt, %add3A_115, %gather3A_24 : vector<16xi32>
          %and3A_129 = arith.andi %ge3A, %lt3A : vector<16xi1>
          %ne3A_130 = arith.cmpi ne, %add3A_115, %broadcast_in_dim3A_22 : vector<16xi32>
          %and3A_131 = arith.andi %and3A_129, %ne3A_130 : vector<16xi1>
          %lt3A_132 = arith.constant 4.000000e+00 : f32
          %lt3A_133 = vector.broadcast %lt3A_132 : f32 to vector<16xf32>
          %lt3A_134 = arith.cmpf olt, %add3A_128, %lt3A_133 : vector<16xf32>
          %and3A_135 = arith.andi %and3A_131, %lt3A_134 : vector<16xi1>
          %broadcast_in_dim3A_136 = vector.broadcast %scan3A_12 : f32 to vector<16xf32>
          %select_n3A_137 = arith.select %and3A_135, %add3A_128, %broadcast_in_dim3A_136 : vector<16xi1>, vector<16xf32>
          %masked_sort3A = arith.constant dense<true> : vector<16xi1>
          %masked_sort3A_138, %masked_sort3A_139, %masked_sort3A_140 = tpu.sort %select_n3A_137, %add3A_115 masked %masked_sort3A : (vector<16xf32>, vector<16xi32>, vector<16xi1>) -> (vector<16xi1>, vector<16xf32>, vector<16xi32>)
          %rev3A = arith.constant 15 : i32
          %rev3A_141 = vector.broadcast %rev3A : i32 to vector<16xi32>
          %rev3A_142 = tpu.iota {dimensions = array<i32: 0>} : vector<16xi32>
          %rev3A_143 = arith.subi %rev3A_141, %rev3A_142 : vector<16xi32>
          %rev3A_144 = tpu.dynamic_gather %masked_sort3A_139[%rev3A_143] in [0] : vector<16xf32>, vector<16xi32> -> vector<16xf32>
          %rev3A_145 = arith.constant 15 : i32
          %rev3A_146 = vector.broadcast %rev3A_145 : i32 to vector<16xi32>
          %rev3A_147 = tpu.iota {dimensions = array<i32: 0>} : vector<16xi32>
          %rev3A_148 = arith.subi %rev3A_146, %rev3A_147 : vector<16xi32>
          %rev3A_149 = tpu.dynamic_gather %masked_sort3A_140[%rev3A_148] in [0] : vector<16xi32>, vector<16xi32> -> vector<16xi32>
          %le3A_150 = arith.cmpf ole, %while3A_110, %rev3A_144 : vector<16xf32>
          %min3A = arith.minimumf %while3A_110, %rev3A_144 : vector<16xf32>
          %select_n3A_151 = arith.select %le3A_150, %while3A_111, %rev3A_149 : vector<16xi1>, vector<16xi32>
          %le3A_152 = arith.cmpf ole, %while3A_108, %min3A : vector<16xf32>
          %min3A_153 = arith.minimumf %while3A_108, %min3A : vector<16xf32>
          %max3A = arith.maximumf %while3A_108, %min3A : vector<16xf32>
          %select_n3A_154 = arith.select %le3A_152, %while3A_109, %select_n3A_151 : vector<16xi1>, vector<16xi32>
          %select_n3A_155 = arith.select %le3A_152, %select_n3A_151, %while3A_109 : vector<16xi1>, vector<16xi32>
          %masked_sort3A_156 = arith.constant dense<true> : vector<16xi1>
          %masked_sort3A_157, %masked_sort3A_158, %masked_sort3A_159 = tpu.sort %min3A_153, %select_n3A_154 masked %masked_sort3A_156 : (vector<16xf32>, vector<16xi32>, vector<16xi1>) -> (vector<16xi1>, vector<16xf32>, vector<16xi32>)
          %masked_sort3A_160 = arith.constant dense<true> : vector<16xi1>
          %masked_sort3A_161, %masked_sort3A_162, %masked_sort3A_163 = tpu.sort %max3A, %select_n3A_155 masked %masked_sort3A_160 : (vector<16xf32>, vector<16xi32>, vector<16xi1>) -> (vector<16xi1>, vector<16xf32>, vector<16xi32>)
          scf.yield %masked_sort3A_158, %masked_sort3A_159, %masked_sort3A_162, %masked_sort3A_163 : vector<16xf32>, vector<16xi32>, vector<16xf32>, vector<16xi32>
        }
        %eq3A = vector.broadcast %scan3A_12 : f32 to vector<16xf32>
        %eq3A_89 = arith.cmpf oeq, %while3A_88#0, %eq3A : vector<16xf32>
        %eq3A_90 = vector.broadcast %scan3A_12 : f32 to vector<16xf32>
        %eq3A_91 = arith.cmpf oeq, %while3A_88#2, %eq3A_90 : vector<16xf32>
        %select_n3A_92 = arith.select %eq3A_89, %broadcast_in_dim3A_22, %while3A_88#1 : vector<16xi1>, vector<16xi32>
        %swap3A = arith.index_cast %scan3A_18 : i32 to index
        %swap3A_93 = arith.constant 0 : index
        %swap3A_94 = tpu.vector_load %arg14[%swap3A, %swap3A_93] {strides = array<i32>} : memref<128x32xi32, #tpu.memory_space<vmem>>, vector<16xi32>,
        tpu.vector_store %arg14[%swap3A, %swap3A_93], %select_n3A_92 {strides = array<i32>} : memref<128x32xi32, #tpu.memory_space<vmem>>, vector<16xi32>,
        %select_n3A_95 = arith.select %eq3A_89, %broadcast_in_dim3A_3, %while3A_88#0 : vector<16xi1>, vector<16xf32>
        %swap3A_96 = arith.index_cast %scan3A_18 : i32 to index
        %swap3A_97 = arith.constant 0 : index
        %swap3A_98 = tpu.vector_load %arg15[%swap3A_96, %swap3A_97] {strides = array<i32>} : memref<128x32xf32, #tpu.memory_space<vmem>>, vector<16xf32>,
        tpu.vector_store %arg15[%swap3A_96, %swap3A_97], %select_n3A_95 {strides = array<i32>} : memref<128x32xf32, #tpu.memory_space<vmem>>, vector<16xf32>,
        %select_n3A_99 = arith.select %eq3A_91, %broadcast_in_dim3A_22, %while3A_88#3 : vector<16xi1>, vector<16xi32>
        %swap3A_100 = arith.index_cast %scan3A_18 : i32 to index
        %swap3A_101 = arith.constant 16 : index
        %swap3A_102 = tpu.vector_load %arg14[%swap3A_100, %swap3A_101] {strides = array<i32>} : memref<128x32xi32, #tpu.memory_space<vmem>>, vector<16xi32>,
        tpu.vector_store %arg14[%swap3A_100, %swap3A_101], %select_n3A_99 {strides = array<i32>} : memref<128x32xi32, #tpu.memory_space<vmem>>, vector<16xi32>,
        %select_n3A_103 = arith.select %eq3A_91, %broadcast_in_dim3A_3, %while3A_88#2 : vector<16xi1>, vector<16xf32>
        %swap3A_104 = arith.index_cast %scan3A_18 : i32 to index
        %swap3A_105 = arith.constant 16 : index
        %swap3A_106 = tpu.vector_load %arg15[%swap3A_104, %swap3A_105] {strides = array<i32>} : memref<128x32xf32, #tpu.memory_space<vmem>>, vector<16xf32>,
        tpu.vector_store %arg15[%swap3A_104, %swap3A_105], %select_n3A_103 {strides = array<i32>} : memref<128x32xf32, #tpu.memory_space<vmem>>, vector<16xf32>,
      } else {
      }
    }
    %scan3A_17 = arith.constant 128 : i32
    "tpu.region"() ({
      %run_scoped3A = tpu.sem_alloc : memref<!tpu.dma_semaphore, #tpu.memory_space<semaphore_mem>>
      %dma_start3A = arith.constant 0 : i32
      %dma_start3A_18 = arith.constant 0 : i32
      %dma_start3A_19 = tpu.memref_slice %arg6[%add3A, %dma_start3A, %dma_start3A_18] : memref<32x128x32xi32, #tpu.memory_space<hbm>> -> memref<1x128x32xi32, #tpu.memory_space<hbm>>
      %dma_start3A_20 = tpu.memref_squeeze %dma_start3A_19 : memref<1x128x32xi32, #tpu.memory_space<hbm>> -> memref<128x32xi32, #tpu.memory_space<hbm>>
      %dma_start3A_21 = arith.constant 0 : i32
      %dma_start3A_22 = arith.constant 0 : i32
      %dma_start3A_23 = tpu.memref_slice %arg6[%add3A, %dma_start3A_21, %dma_start3A_22] : memref<32x128x32xi32, #tpu.memory_space<hbm>> -> memref<1x128x32xi32, #tpu.memory_space<hbm>>
      %dma_start3A_24 = tpu.memref_squeeze %dma_start3A_23 : memref<1x128x32xi32, #tpu.memory_space<hbm>> -> memref<128x32xi32, #tpu.memory_space<hbm>>
      tpu.enqueue_dma source(%arg14 : memref<128x32xi32, #tpu.memory_space<vmem>>) target(%dma_start3A_24 : memref<128x32xi32, #tpu.memory_space<hbm>>) target_semaphore(%run_scoped3A : memref<!tpu.dma_semaphore, #tpu.memory_space<semaphore_mem>>)
      %dma_wait3A = arith.constant 0 : i32
      %dma_wait3A_25 = arith.constant 0 : i32
      %dma_wait3A_26 = tpu.memref_slice %arg6[%add3A, %dma_wait3A, %dma_wait3A_25] : memref<32x128x32xi32, #tpu.memory_space<hbm>> -> memref<1x128x32xi32, #tpu.memory_space<hbm>>
      %dma_wait3A_27 = tpu.memref_squeeze %dma_wait3A_26 : memref<1x128x32xi32, #tpu.memory_space<hbm>> -> memref<128x32xi32, #tpu.memory_space<hbm>>
      %dma_wait3A_28 = arith.constant 0 : i32
      %dma_wait3A_29 = arith.constant 0 : i32
      %dma_wait3A_30 = tpu.memref_slice %arg6[%add3A, %dma_wait3A_28, %dma_wait3A_29] : memref<32x128x32xi32, #tpu.memory_space<hbm>> -> memref<1x128x32xi32, #tpu.memory_space<hbm>>
      %dma_wait3A_31 = tpu.memref_squeeze %dma_wait3A_30 : memref<1x128x32xi32, #tpu.memory_space<hbm>> -> memref<128x32xi32, #tpu.memory_space<hbm>>
      tpu.wait_dma2 semaphore(%run_scoped3A : memref<!tpu.dma_semaphore, #tpu.memory_space<semaphore_mem>>) src(%arg14 : memref<128x32xi32, #tpu.memory_space<vmem>>) dst(%dma_wait3A_31 : memref<128x32xi32, #tpu.memory_space<hbm>>)
      tpu.yield
    }) : () -> ()
    "tpu.region"() ({
      %run_scoped3A = tpu.sem_alloc : memref<!tpu.dma_semaphore, #tpu.memory_space<semaphore_mem>>
      %dma_start3A = arith.constant 0 : i32
      %dma_start3A_18 = arith.constant 0 : i32
      %dma_start3A_19 = tpu.memref_slice %arg7[%add3A, %dma_start3A, %dma_start3A_18] : memref<32x128x32xf32, #tpu.memory_space<hbm>> -> memref<1x128x32xf32, #tpu.memory_space<hbm>>
      %dma_start3A_20 = tpu.memref_squeeze %dma_start3A_19 : memref<1x128x32xf32, #tpu.memory_space<hbm>> -> memref<128x32xf32, #tpu.memory_space<hbm>>
      %dma_start3A_21 = arith.constant 0 : i32
      %dma_start3A_22 = arith.constant 0 : i32
      %dma_start3A_23 = tpu.memref_slice %arg7[%add3A, %dma_start3A_21, %dma_start3A_22] : memref<32x128x32xf32, #tpu.memory_space<hbm>> -> memref<1x128x32xf32, #tpu.memory_space<hbm>>
      %dma_start3A_24 = tpu.memref_squeeze %dma_start3A_23 : memref<1x128x32xf32, #tpu.memory_space<hbm>> -> memref<128x32xf32, #tpu.memory_space<hbm>>
      tpu.enqueue_dma source(%arg15 : memref<128x32xf32, #tpu.memory_space<vmem>>) target(%dma_start3A_24 : memref<128x32xf32, #tpu.memory_space<hbm>>) target_semaphore(%run_scoped3A : memref<!tpu.dma_semaphore, #tpu.memory_space<semaphore_mem>>)
      %dma_wait3A = arith.constant 0 : i32
      %dma_wait3A_25 = arith.constant 0 : i32
      %dma_wait3A_26 = tpu.memref_slice %arg7[%add3A, %dma_wait3A, %dma_wait3A_25] : memref<32x128x32xf32, #tpu.memory_space<hbm>> -> memref<1x128x32xf32, #tpu.memory_space<hbm>>
      %dma_wait3A_27 = tpu.memref_squeeze %dma_wait3A_26 : memref<1x128x32xf32, #tpu.memory_space<hbm>> -> memref<128x32xf32, #tpu.memory_space<hbm>>
      %dma_wait3A_28 = arith.constant 0 : i32
      %dma_wait3A_29 = arith.constant 0 : i32
      %dma_wait3A_30 = tpu.memref_slice %arg7[%add3A, %dma_wait3A_28, %dma_wait3A_29] : memref<32x128x32xf32, #tpu.memory_space<hbm>> -> memref<1x128x32xf32, #tpu.memory_space<hbm>>
      %dma_wait3A_31 = tpu.memref_squeeze %dma_wait3A_30 : memref<1x128x32xf32, #tpu.memory_space<hbm>> -> memref<128x32xf32, #tpu.memory_space<hbm>>
      tpu.wait_dma2 semaphore(%run_scoped3A : memref<!tpu.dma_semaphore, #tpu.memory_space<semaphore_mem>>) src(%arg15 : memref<128x32xf32, #tpu.memory_space<vmem>>) dst(%dma_wait3A_31 : memref<128x32xf32, #tpu.memory_space<hbm>>)
      tpu.yield
    }) : () -> ()
    return
  }
}

module attributes {stable_mosaic.version = 14 : i64} {
  func.func @_sqrt_body(%arg0: memref<128x1024xf32, #tpu.memory_space<vmem>>, %arg1: memref<128x1024xf32, #tpu.memory_space<vmem>>) attributes {dimension_semantics = [], scalar_prefetch = 0 : i64, scratch_operands = 0 : i64, tpu.core_type = #tpu.core_type<tc>} {
    %get3A = arith.constant 0 : index
    %get3A_0 = arith.constant 0 : index
    %get3A_1 = vector.load %arg0[%get3A, %get3A_0] : memref<128x1024xf32, #tpu.memory_space<vmem>>, vector<128x1024xf32>
    %sqrt3A = math.sqrt %get3A_1 : vector<128x1024xf32>
    %swap3A = arith.constant 0 : index
    %swap3A_2 = arith.constant 0 : index
    %swap3A_3 = vector.load %arg1[%swap3A, %swap3A_2] : memref<128x1024xf32, #tpu.memory_space<vmem>>, vector<128x1024xf32>
    tpu.vector_store %arg1[%swap3A, %swap3A_2], %sqrt3A {strides = array<i32>} : memref<128x1024xf32, #tpu.memory_space<vmem>>, vector<128x1024xf32>,
    return
  }
}

</mosaic_0001>

<sc_bundles>
// kernel: kernel.4.cloned.1.call-start
scs
__scs_entry_jumppad:
0x0: {  	(pc) =	sbr.rel $0x88, $3  }
0x1: {  	(tag) =	ssettag $0x0;
	lr =	simm.s32 $0x1  }
0x2: {  	[smem:$0x3F9F] =	sst lr;
	_ =	strace $0xD0000000  }
0x3: {  	_ = 	snop  }
0x4: {  	_ = 	snop  }
0x5: {  	_ = 	snop  }
0x6: {  	_ = 	snop  }
0x7: {  	_ = 	snop  }
__scs_overlays_trampoline_lowered:
0x8: {  	[smem:$0x3FAE] =	sst s0  }
0x9: {  	[smem:$0x3FAF] =	sst s1  }
0xa: {  	[smem:$0x3FB0] =	sst s2  }
0xb: {  	[smem:$0x3FB1] =	sst s3  }
0xc: {  	[smem:$0x3FB2] =	sst s4  }
0xd: {  	[smem:$0x3FB3] =	sst s5  }
0xe: {  	[smem:$0x3FB4] =	sst s6  }
0xf: {  	[smem:$0x3FB5] =	sst s7  }
0x10: {  	[smem:$0x3FB6] =	sst s8  }
0x11: {  	[smem:$0x3FB7] =	sst s9;
	s0 =	simm.s32 @!p0 $0x0  }
0x12: {  	s1 =	sld [smem:$0x3F9D];
	s0 =	simm.s32 @p0 $0x1  }
0x13: {  	[smem:$0x3FB8] =	sst s0;
	s0 =	simm.s32 @!p1 $0x0  }
0x14: {  	s2 =	sld [smem:$0x3F9C];
	s0 =	simm.s32 @p1 $0x1  }
0x15: {  	[smem:$0x3FB9] =	sst s0;
	s0 =	simm.s32 @!p2 $0x0  }
0x16: {  	s3 =	sld [smem:$0x3FDB];
	s0 =	simm.s32 @p2 $0x1  }
0x17: {  	s4 =	simm.s32 $0x1BF5;
	[smem:$0x3FBB] =	sst s0  }
0x18: {  	s0 =	sld [smem:$0x3F9E];
	_ =	swait.ge [sflag:s4], $0x0  }
0x19: {  	s7 =	sld [smem:$0x3F9F]  }
0x1a: {  	s8 =	sadd.s32 $0xFFFFE003, lr  }
0x1b: {  	s9 =	sadd.s32 $0xFFFFFEF7, lr;
	s5 =	simm.s32 $0xFFFFFFFF;
	p2 =	slt.u32 s8, $0xFFFFF086  }
0x1c: {  	p1 =	slt.u32 s9, $0xF7A;
	s5 =	simm.s32 @!p2 $0x0  }
0x1d: {  	s5 =	simm.s32 @p1 $0x1;
	p0 =	seq.s32 s7, s2  }
0x1e: {  	s7 =	smul.u32 @!p0 $0xF7A, s2;
	p2 =	seq.s32 @!p0 s5, $0x0  }
0x1f: {  	s9 =	smul.u32 $0xF7A, s1;
	s8 =	simm.s32 @!p0 $0x1BF5;
	p2 =	por !p2, p0  }
0x20: {  	[sflag:s8] =	ssyncset.s32 @!p0 $0xFFFFF086;
	s6 =	sadd.s32 @!p0 s3, s7;
	s7 =	simm.s32 @!p0 $0x108  }
0x21: {  	s3 =	sadd.s32 s3, s9;
	s6 =	sadd.s32 @!p0 $0x88, s6;
	s7 =	simm.s32 @p2 $0x1082  }
0x22: {  	[simem:s7], [sflag:s8] =	dma.local @!p0 [hbm:s6], $0xF7A  }
0x23: {  	s9 =	sor.u32 $0xD0000000, s2;
	s6 =	simm.s32 $0x108;
	_ =	swait.ge @!p0 [sflag:s8], $0x0  }
0x24: {  	s3 =	sadd.s32 $0x88, s3;
	s6 =	simm.s32 @!p1 $0x1082;
	[sflag:s4] =	ssyncset.s32 $0xFFFFF086  }
0x25: {  	[simem:s6], [sflag:s4] =	dma.local [hbm:s3], $0xF7A  }
0x26: {  	[smem:$0x3F9F] =	sst s1;
	(tag) =	ssettag s2;
	_ =	strace s9  }
0x27: {  	s1 =	sld [smem:$0x3FAF]  }
0x28: {  	s2 =	sld [smem:$0x3FB0]  }
0x29: {  	s4 =	sld [smem:$0x3FB2]  }
0x2a: {  	p0 =	seq.s32 s5, $0x0;
	s5 =	sld [smem:$0x3FB3]  }
0x2b: {  	s6 =	sld [smem:$0x3FB4]  }
0x2c: {  	s7 =	sld [smem:$0x3FB5]  }
0x2d: {  	s3 =	simm.s32 $0x108;
	s8 =	sld [smem:$0x3FB6]  }
0x2e: {  	s3 =	simm.s32 @!p0 $0x1082;
	s9 =	sld [smem:$0x3FB7]  }
0x2f: {  	lr =	sadd.s32 s0, s3;
	s0 =	sld [smem:$0x3FAE]  }
0x30: {  	s3 =	sld [smem:$0x3FB1]  }
0x31: {  	[smem:$0x3FBA] =	sst s10  }
0x32: {  	s10 =	sld [smem:$0x3FB8];
	_ =	sdelay $0x3  }
0x33: {  	p0 =	seq.s32 s10, $0x1;
	s10 =	sld [smem:$0x3FBA];
	_ =	sdelay $0x3  }
0x34: {  	[smem:$0x3FBA] =	sst s10  }
0x35: {  	s10 =	sld [smem:$0x3FB9];
	_ =	sdelay $0x3  }
0x36: {  	p1 =	seq.s32 s10, $0x1;
	s10 =	sld [smem:$0x3FBA];
	_ =	sdelay $0x3  }
0x37: {  	[smem:$0x3FBA] =	sst s10  }
0x38: {  	s10 =	sld [smem:$0x3FBB]  }
0x39: {  	_ = 	snop;
	(pc) =	sbr.ind lr, $3  }
0x3a: {  	_ = 	snop  }
0x3b: {  	_ = 	snop  }
0x3c: {  	p2 =	seq.s32 s10, $0x1;
	s10 =	sld [smem:$0x3FBA]  }
0x3d: {  	_ =	shalt  }
0x3e: {  	_ =	shalt  }
0x3f: {  	_ =	shalt  }
0x40: {  	_ =	shalt  }
0x41: {  	_ =	shalt  }
0x42: {  	_ =	shalt  }
0x43: {  	_ =	shalt  }
0x44: {  	_ =	shalt  }
0x45: {  	_ =	shalt  }
0x46: {  	_ =	shalt  }
0x47: {  	_ =	shalt  }
0x48: {  	_ =	shalt  }
0x49: {  	_ =	shalt  }
0x4a: {  	_ =	shalt  }
0x4b: {  	_ =	shalt  }
0x4c: {  	_ =	shalt  }
0x4d: {  	_ =	shalt  }
0x4e: {  	_ =	shalt  }
0x4f: {  	_ =	shalt  }
0x50: {  	_ =	shalt  }
0x51: {  	_ =	shalt  }
0x52: {  	_ =	shalt  }
0x53: {  	_ =	shalt  }
0x54: {  	_ =	shalt  }
0x55: {  	_ =	shalt  }
0x56: {  	_ =	shalt  }
0x57: {  	_ =	shalt  }
0x58: {  	_ =	shalt  }
0x59: {  	_ =	shalt  }
0x5a: {  	_ =	shalt  }
0x5b: {  	_ =	shalt  }
0x5c: {  	_ =	shalt  }
0x5d: {  	_ =	shalt  }
0x5e: {  	_ =	shalt  }
0x5f: {  	_ =	shalt  }
0x60: {  	_ =	shalt  }
0x61: {  	_ =	shalt  }
0x62: {  	_ =	shalt  }
0x63: {  	_ =	shalt  }
0x64: {  	_ =	shalt  }
0x65: {  	_ =	shalt  }
0x66: {  	_ =	shalt  }
0x67: {  	_ =	shalt  }
0x68: {  	_ =	shalt  }
0x69: {  	_ =	shalt  }
0x6a: {  	_ =	shalt  }
0x6b: {  	_ =	shalt  }
0x6c: {  	_ =	shalt  }
0x6d: {  	_ =	shalt  }
0x6e: {  	_ =	shalt  }
0x6f: {  	_ =	shalt  }
0x70: {  	_ =	shalt  }
0x71: {  	_ =	shalt  }
0x72: {  	_ =	shalt  }
0x73: {  	_ =	shalt  }
0x74: {  	_ =	shalt  }
0x75: {  	_ =	shalt  }
0x76: {  	_ =	shalt  }
0x77: {  	_ =	shalt  }
0x78: {  	_ =	shalt  }
0x79: {  	_ =	shalt  }
0x7a: {  	_ =	shalt  }
0x7b: {  	_ =	shalt  }
0x7c: {  	_ =	shalt  }
0x7d: {  	_ =	shalt  }
0x7e: {  	_ =	shalt  }
0x7f: {  	_ =	shalt  }
0x80: {  	_ =	shalt  }
0x81: {  	_ =	shalt  }
0x82: {  	_ =	shalt  }
0x83: {  	_ =	shalt  }
0x84: {  	_ =	shalt  }
0x85: {  	_ =	shalt  }
0x86: {  	_ =	shalt  }
0x87: {  	_ =	shalt  }
.Lfunc_end0:
.L_simem_size_0:
called_computation_lowered:
.L_overlay_start_0:
0x88: {  	s2 =	sld [smem:$0x3FD9]  }
0x89: {  	s3 =	sld [smem:$0x3FFE];
	_ =	sdelay $0x1  }
0x8a: {  	s1 =	srdreg.scid  }
0x8b: {  	s0 =	sand.u32 $0x1, s1  }
0x8c: {  	s14 =	sshll.u32 s0, $0xA;
	s2 =	sadd.s32 s3, s2  }
0x8d: {  	s2 =	sadd.s32 s2, s14  }
0x8e: {  	[smem:$0x3FC6] =	sst s2  }
0x8f: {  	_ = 	snop  }
0x90: {  	s2 =	sld [smem:$0x3FD0];
	_ =	sdelay $0x2  }
0x91: {  	s4 =	simm.s32 $0xA;
	s5 =	simm.s32 $0x10;
	s15 =	sld [smem:$0x3FC8]  }
0x92: {  	[smem:s5], [sflag:s4] =	dma.local [hbm:s2], $0x1  }
0x93: {  	_ =	swait.eq [sflag:s4], $0x1  }
0x94: {  	[sflag:s4] =	ssyncset.done $0x0  }
0x95: {  	s16 =	sld [smem:$0x10];
	[sflag:s4] =	ssyncadd.s32 $0xFFFFFFFF  }
0x96: {  	s17 =	sld [smem:$0x11];
	(tm) =	ssettm $0x1  }
0x97: {  	s18 =	sld [smem:$0x3FFB];
	_ =	sdelay $0x3  }
0x98: {  	_ =	strace s18  }
0x99: {  	s5 =	sld [smem:$0x3FFC];
	_ =	sdelay $0x3  }
0x9a: {  	_ =	strace s5  }
0x9b: {  	s5 =	sld [smem:$0x3FFD];
	_ =	sdelay $0x3  }
0x9c: {  	_ =	strace s5  }
0x9d: {  	_ =	strace $0x8FFFFFFF  }
0x9e: {  	s19 =	sld [smem:$0x3FDB];
	_ =	sdelay $0x1  }
0x9f: {  	s6 =	simm.s32 $_scs_section_size  }
0xa0: {  	s7 =	simm.s32 $_size__tile_overlayer_lowered;
	s8 =	simm.s32 $_tile_overlayer_lowered  }
0xa1: {  	s22 =	simm.s32 $0x1BFF;
	s21 =	sshll.u32 s8, $0x1;
	s5 =	sadd.s32 s6, s19  }
0xa2: {  	s9 =	simm.s32 $0x0;
	s20 =	sshll.u32 s7, $0x1;
	s7 =	sadd.s32 s21, s5  }
0xa3: {  	[timem:s9], [sflag:s22] =	dma.local [hbm:s7], s20  }
0xa4: {  	_ =	swait.ge [sflag:s22], s20  }
0xa5: {  	s6 =	ssub.s32 $0x0, s20;
	[sflag:s22] =	ssyncset.done $0x0  }
0xa6: {  	[sflag:s22] =	ssyncadd.s32 s6;
	_ =	sdelay $0x1  }
0xa7: {  	s23 =	simm.s32 $0x1B8B  }
0xa8: {  	_ =	swait.ge [sflag:s23], $0x1  }
0xa9: {  	[sflag:s23] =	ssyncset.done $0x0  }
0xaa: {  	s25 =	simm.s32 $0x1B8E;
	s24 =	sld [smem:$0x3FFE];
	[sflag:s23] =	ssyncadd.s32 $0xFFFFFFFF  }
0xab: {  	s26 =	simm.s32 $execute0_lowered;
	[smem:$0x3FD2] =	sst s25  }
0xac: {  	s7 =	sshll.u32 s26, $0x1;
	_ =	strace $0x80000046;
	[dreg:$0x1] =	wrdreg $0xFFFFFFFF  }
0xad: {  	s28 =	simm.s32 $_size_execute0_lowered;
	s5 =	sadd.s32 s5, s7;
	[dreg:$0x0] =	wrdreg $0x0  }
0xae: {  	s7 =	sshll.u32 s28, $0x1;
	[dreg:$0x2] =	wrdreg s5  }
0xaf: {  	[dreg:$0x3] =	wrdreg s7  }
0xb0: {  	[dreg:$0x4] =	wrdreg $0xC0  }
0xb1: {  	_ =	task [dreg:s9], $0x5FFFF  }
0xb2: {  	[dreg:$0x1] =	wrdreg $0xFFFFFFFF  }
0xb3: {  	[dreg:$0x0] =	wrdreg $0x60  }
0xb4: {  	[dreg:$0x2] =	wrdreg s24  }
0xb5: {  	[dreg:$0x3] =	wrdreg s16  }
0xb6: {  	[dreg:$0x4] =	wrdreg s17  }
0xb7: {  	[dreg:$0x5] =	wrdreg s15  }
0xb8: {  	[dreg:$0x6] =	wrdreg $0x9  }
0xb9: {  	_ =	task.clear_ibuf [dreg:s9], $0x7FFFF;
	_ =	strace $0x90000046  }
0xba: {  	s29 =	simm.s32 $0x9;
	_ =	strace $0x80000048  }
0xbb: {  	_ =	swait.ge [sflag:s29], $0x1  }
0xbc: {  	[sflag:s29] =	ssyncadd.s32 $0xFFFFFFFF  }
0xbd: {  	_ =	strace $0x90000048  }
0xbe: {  	_ =	sfence  }
0xbf: {  	s30 =	sld [smem:$0x0];
	_ =	sdelay $0x2  }
0xc0: {  	s31 =	sshll.u32 s1, $0xD;
	s1 =	sshrl.u32 s1, $0x2  }
0xc1: {  	s3 =	sand.u32 $0x4000, s31;
	s1 =	sadd.s32 s1, s30  }
0xc2: {  	s0 =	sor.u32 s3, s0;
	s1 =	sshll.u32 s1, $0x11  }
0xc3: {  	s0 =	sor.u32 s1, s0  }
0xc4: {  	s0 =	sadd.s32 $0x8F2B, s0  }
0xc5: {  	[sflag:s0] =	ssyncadd.remote.s32 $0x1  }
0xc6: {  	_ =	sfence.sel $0xFFFF  }
0xc7: {  	[dreg:$0x0] =	wrdreg $0xFFFFFFFF;
	(pc) =	sbr.abs _section_cstart, $3  }
0xc8: {  	[dreg:$0x1] =	wrdreg $0xFFFFFFFF  }
0xc9: {  	_ =	task.clear_ibuf [dreg:s9], $0x2FFFF;
	_ =	strace $0x9FFFFFFF  }
0xca: {  	(tm) =	ssettm $0x7FFFFFFF  }
0xcb: {  	_ =	shalt  }
tec
execute0_lowered:
.L_overlay_start_1:
0x0: {  	(tag) =	ssettag $0x1  }
0x1: {  	s8 =	rddreg [dreg:$0x0]  }
0x2: {  	s1 =	rddreg [dreg:$0x1]  }
0x3: {  	s3 =	rddreg [dreg:$0x2]  }
0x4: {  	s4 =	rddreg [dreg:$0x3]  }
0x5: {  	s0 =	rddreg [dreg:$0x4]  }
0x6: {  	s6 =	srdreg.scid;
	s2 =	stileid.u32;
	s5 =	simm.s32 $0x0  }
0x7: {  	s12 =	simm.s32 $0x1080;
	s13 =	simm.s32 $0x2100;
	s14 =	simm.s32 $0x3180  }
0x8: {  	s15 =	simm.s32 $0x4180;
	s16 =	simm.s32 $0x4200;
	s17 =	simm.s32 $0x4280  }
0x9: {  	s18 =	simm.s32 $0x8280;
	s7 =	sand.u32 $0x1, s6;
	s31 =	sshll.u32 s2, $0x1  }
.Ltmp0:
0xa: {  	s19 =	simm.s32 $0x0;
	s6 =	sor.u32 s7, s31;
	(pc) =	sbr.rel .LBB2_1-.Ltmp0, $4  }
0xb: {  	v0 =	vlaneseq.u32;
	[smem:$0x7FF] =	sst s5;
	s9 =	ssub.s32 $0x2, s7;
	s10 =	sshll.u32 s6, $0xB  }
0xc: {  	v4 =	vmul.u32 $0xFFFFFFFF, v0;
	_ =	strace $0x80000047;
	s11 =	sshrl.u32 s9, $0x1;
	s10 =	sadd.s32 s10, s8  }
0xd: {  	v3 =	vimm.s32 $0x0;
	s7 =	sadd.s32 $0xC00, s8;
	s11 =	ssub.s32 s9, s11;
	s8 =	sadd.s32 $0xE00, s10  }
0xe: {  	v2 =	vmul.u32 $0x20, v0;
	v1 =	vmov s6;
	v4 =	vadd.s32 $0xF, v4;
	s9 =	sadd.s32 $0x10E00, s10;
	s10 =	smax.u32 s11, $0x1;
	s11 =	simm.s32 $0x1  }
.LBB2_17:
0xf: {  	[hbm4b:s8+s5] =	stream.linear.scatter [tilespmem:s17], [sflag:$0x1], $0x4000, $0x38;
	[tilespmem:$0xC280] =	vst v63  }
0x10: {  	s19 =	sadd.s32 $0x1, s19;
	_ =	swait.ge [sflag:s11], $0x4000  }
0x11: {  	p0 =	sne.s32 s19, s10;
	[sflag:s11] =	ssyncset.done $0x0  }
.Ltmp1:
0x12: {  	[sflag:s11] =	ssyncadd.s32 $0xFFFFC000;
	(pc) =	sbr.rel @!p0 .LBB2_18-.Ltmp1, $4  }
0x13: {  	[hbm4b:s9+s5] =	stream.linear.scatter [tilespmem:s18], [sflag:$0x1], $0x4000, $0x38;
	[tilespmem:$0xC280] =	vst v63  }
0x14: {  	_ =	swait.ge [sflag:s11], $0x4000  }
0x15: {  	[sflag:s11] =	ssyncset.done $0x0  }
0x16: {  	[sflag:s11] =	ssyncadd.s32 $0xFFFFC000  }
.LBB2_1:
0x17: {  	[tilespmem:s5], [sflag:$0x1] =	stream.linear.gather [hbm4b:s7+s5], $0x1000, $0x38;
	[tilespmem:$0xC280] =	vst v63  }
0x18: {  	_ =	swait.ge [sflag:s11], $0x1000  }
0x19: {  	[sflag:s11] =	ssyncset.done $0x0  }
0x1a: {  	[sflag:s11] =	ssyncadd.s32 $0xFFFFF000  }
0x1b: {  	[tilespmem:s12], [sflag:$0x1] =	stream.linear.gather [hbm4b:s1+s5], $0x1000, $0x38;
	[tilespmem:$0xC280] =	vst v63  }
0x1c: {  	_ =	swait.ge [sflag:s11], $0x1000  }
0x1d: {  	[sflag:s11] =	ssyncset.done $0x0  }
0x1e: {  	[sflag:s11] =	ssyncadd.s32 $0xFFFFF000  }
0x1f: {  	[tilespmem:s13], [sflag:$0x1] =	stream.linear.gather [hbm4b:s3+s5], $0x1000, $0x38;
	[tilespmem:$0xC280] =	vst v63  }
0x20: {  	_ =	swait.ge [sflag:s11], $0x1000  }
0x21: {  	[sflag:s11] =	ssyncset.done $0x0  }
0x22: {  	[sflag:s11] =	ssyncadd.s32 $0xFFFFF000  }
0x23: {  	[tilespmem:s14], [sflag:$0x1] =	stream.linear.gather [hbm4b:s4+s5], $0x1000, $0x38;
	[tilespmem:$0xC280] =	vst v63  }
0x24: {  	_ =	swait.ge [sflag:s11], $0x1000  }
0x25: {  	[sflag:s11] =	ssyncset.done $0x0  }
0x26: {  	s20 =	simm.s32 $0x0;
	[sflag:s11] =	ssyncadd.s32 $0xFFFFF000  }
.LBB2_2:
0x27: {  	v5 =	vimm.s32 $0x0;
	v6 =	vimm.s32 $0x1000  }
0x28: {  	v7 =	vadd.s32 v5, v6  }
0x29: {  	v8 =	vand.u32 $0x1, v7  }
0x2a: {  	s21 =	sshll.u32 s20, $0x4;
	v9 =	vshrl.u32 v7, $0x1F;
	vm0 =	vlt.s32 v7, $0x1;
	vm1 =	veq.s32 v8, $0x1  }
0x2b: {  	v8 =	vmov s21;
	v7 =	vadd.s32 v9, v7;
	vm0 =	vmand vm0, vm1  }
0x2c: {  	v8 =	vshll.u32 v8, $0x5;
	v7 =	vshra.s32 v7, $0x1;
	v9 =	vsel vm0, $0xFFFFFFFF, v3  }
0x2d: {  	v8 =	vor.u32 v2, v8;
	v10 =	vadd.s32 v9, v7  }
0x2e: {  	v7 =	vor.u32 v1, v8;
	vm0 =	vlt.s32 v10, $0xFFF  }
0x2f: {  	v8 =	vnsel vm0, $0xFFF, v10;
	_ =	sdelay $0x3  }
0x30: {  	v7 =	vld.idx.msk [tilespmem:v7+s14+$0x0], $0xffff  }
0x31: {  	v9 =	vld.idx.msk [tilespmem:v8+s14+$0x0], $0xffff;
	_ =	sdelay $0x3  }
0x32: {  	v13 =	vadd.s32 $0x1, v10;
	vm0 =	vlt.s32 v5, v6  }
0x33: {  	s22 =	simm.s32 $0xB;
	v11 =	vmovc v10;
	v12 =	vld.idx.msk [tilespmem:v8+s14+$0x0], $0xffff;
	v8 =	vimm.s32 $0x0;
	vm1 =	vlt.s32 v9, v7;
	v9 =	vimm.s32 $0x1000  }
.LBB2_3:
0x34: {  	p0 =	sne.s32 s22, $0x1;
	s22 =	sadd.s32 $0xFFFFFFFF, s22;
	vm0 =	vmand vm0, vm1  }
0x35: {  	v5 =	vsel vm0, v13, v5;
	v6 =	vsel vm0, v6, v10  }
0x36: {  	v10 =	vadd.s32 v5, v6  }
0x37: {  	vm0 =	vlt.s32 v8, v9;
	v13 =	vshrl.u32 v10, $0x1F;
	v14 =	vand.u32 $0x1, v10  }
0x38: {  	vm1 =	vlt.s32 v10, $0x1;
	vm2 =	veq.s32 v14, $0x1;
	v14 =	vadd.s32 $0x1, v11  }
0x39: {  	v10 =	vadd.s32 v13, v10;
	vm1 =	vmand vm1, vm2;
	vm2 =	vle.s32 v12, v7  }
0x3a: {  	v10 =	vshra.s32 v10, $0x1;
	v12 =	vsel vm1, $0xFFFFFFFF, v3;
	vm0 =	vmand vm0, vm2  }
0x3b: {  	v10 =	vadd.s32 v12, v10;
	v8 =	vsel vm0, v14, v8;
	v9 =	vsel vm0, v9, v11  }
0x3c: {  	vm0 =	vlt.s32 v10, $0xFFF;
	v11 =	vadd.s32 v8, v9  }
0x3d: {  	v12 =	vnsel vm0, $0xFFF, v10;
	v13 =	vshrl.u32 v11, $0x1F;
	v14 =	vand.u32 $0x1, v11  }
0x3e: {  	vm0 =	vlt.s32 v11, $0x1;
	v13 =	vadd.s32 v13, v11;
	vm1 =	veq.s32 v14, $0x1  }
0x3f: {  	vm0 =	vmand vm0, vm1  }
0x40: {  	v11 =	vshra.s32 v13, $0x1;
	v13 =	vsel vm0, $0xFFFFFFFF, v3  }
0x41: {  	v11 =	vadd.s32 v13, v11  }
0x42: {  	v12 =	vld.idx.msk [tilespmem:v12+s14+$0x0], $0xffff;
	vm0 =	vlt.s32 v11, $0xFFF  }
0x43: {  	v13 =	vnsel vm0, $0xFFF, v11  }
.Ltmp2:
0x44: {  	(pc) =	sbr.rel @p0 .LBB2_3-.Ltmp2, $3  }
0x45: {  	_ =	sdelay $0x1  }
0x46: {  	vm0 =	vlt.s32 v5, v6  }
0x47: {  	vm1 =	vlt.s32 v12, v7;
	v12 =	vld.idx.msk [tilespmem:v13+s14+$0x0], $0xffff;
	v13 =	vadd.s32 $0x1, v10  }
0x48: {  	_ = 	snop  }
0x49: {  	s20 =	sadd.s32 $0x1, s20  }
0x4a: {  	p0 =	sne.s32 s20, $0x8  }
.Ltmp3:
0x4b: {  	_ = 	snop;
	(pc) =	sbr.rel @p0 .LBB2_2-.Ltmp3, $4  }
0x4c: {  	vm0 =	vmand vm0, vm1;
	vm14 =	vlt.s32 v8, v9;
	vm2 =	vle.s32 v12, v7  }
0x4d: {  	v6 =	vadd.s32 $0x1, v11;
	v5 =	vsel vm0, v13, v5;
	vm15 =	vmand vm14, vm2  }
0x4e: {  	[tilespmem:s21+$0x4180] =	vst v5;
	v6 =	vsel vm15, v6, v8  }
0x4f: {  	[tilespmem:s21+$0x4200] =	vst v6  }
.Ltmp4:
0x50: {  	(pc) =	sbr.rel .LBB2_6-.Ltmp4, $2  }
0x51: {  	_ =	sdelay $0x2  }
0x52: {  	s20 =	simm.s32 $0x0  }
.LBB2_9:
0x53: {  	s21 =	sshll.u32 s22, $0x4  }
0x54: {  	v11 =	vld [tilespmem:s21+$0x0]  }
0x55: {  	v12 =	vld [tilespmem:s21+$0x1080]  }
0x56: {  	v13 =	vld [tilespmem:s21+$0x10]  }
0x57: {  	v14 =	vld [tilespmem:s21+$0x1090]  }
0x58: {  	v15 =	vld [tilespmem:s21+$0x2100]  }
0x59: {  	v16 =	vld [tilespmem:s21+$0x2110]  }
0x5a: {  	v18 =	vld [tilespmem:s21+$0x20]  }
0x5b: {  	v19 =	vld [tilespmem:s21+$0x30]  }
0x5c: {  	v53 =	vld [tilespmem:s21+$0x10A0]  }
0x5d: {  	v17 =	vor.u32 s21, v0;
	v55 =	vld [tilespmem:s21+$0x2120]  }
0x5e: {  	s22 =	sadd.s32 $0x10, s21;
	v56 =	vld [tilespmem:s21+$0x10B0];
	vm0 =	vge.s32 v17, v6  }
0x5f: {  	v57 =	vld [tilespmem:s21+$0x2130];
	s31 =	sadd.s32 $0x20, s21;
	s21 =	sadd.s32 $0x30, s21;
	vm1 =	vlt.s32 v17, v7;
	v54 =	vor.u32 s22, v0;
	vm7 =	vne.s32 v17, v5  }
0x60: {  	v59 =	vor.u32 s31, v0;
	v60 =	vor.u32 s21, v0;
	vm0 =	vmand vm0, vm1  }
0x61: {  	vm2 =	vge.s32 v54, v6;
	vm3 =	vlt.s32 v54, v7;
	vm9 =	vne.s32 v54, v5  }
0x62: {  	vm12 =	vge.s32 v59, v6;
	vm13 =	vlt.s32 v59, v7;
	vm14 =	vne.s32 v59, v5  }
0x63: {  	vm15 =	vge.s32 v60, v6;
	vm6 =	vlt.s32 v60, v7;
	v11 =	vsub.f32 v10, v11  }
0x64: {  	vm0 =	vmand vm7, vm0;
	v12 =	vsub.f32 v9, v12;
	v13 =	vsub.f32 v10, v13  }
0x65: {  	vm8 =	vmand vm2, vm3;
	v14 =	vsub.f32 v9, v14;
	v15 =	vsub.f32 v8, v15  }
0x66: {  	vm1 =	vmand vm9, vm8;
	v16 =	vsub.f32 v8, v16;
	v18 =	vsub.f32 v10, v18  }
0x67: {  	v10 =	vsub.f32 v10, v19;
	v58 =	vsub.f32 v8, v55;
	v11 =	vmul.f32 v11, v11  }
0x68: {  	v8 =	vsub.f32 v8, v57;
	v12 =	vmul.f32 v12, v12;
	v13 =	vmul.f32 v13, v13  }
0x69: {  	v14 =	vmul.f32 v14, v14;
	v51 =	vmul.f32 v15, v15;
	v15 =	vsub.f32 v9, v53  }
0x6a: {  	v52 =	vmul.f32 v16, v16;
	v9 =	vsub.f32 v9, v56;
	v11 =	vadd.f32 v12, v11  }
0x6b: {  	v18 =	vmul.f32 v18, v18;
	v13 =	vadd.f32 v14, v13;
	v15 =	vmul.f32 v15, v15  }
0x6c: {  	v10 =	vmul.f32 v10, v10;
	v9 =	vmul.f32 v9, v9;
	v11 =	vadd.f32 v51, v11  }
0x6d: {  	v14 =	vmul.f32 v58, v58;
	v13 =	vadd.f32 v52, v13;
	v15 =	vadd.f32 v15, v18  }
0x6e: {  	vm8 =	vne.s32 v60, v5;
	v8 =	vmul.f32 v8, v8;
	v9 =	vadd.f32 v9, v10  }
0x6f: {  	vm10 =	vlt.f32 v11, $4.000000000e+00;
	vm11 =	vlt.f32 v13, $4.000000000e+00;
	v10 =	vadd.f32 v14, v15  }
0x70: {  	v8 =	vadd.f32 v8, v9;
	vm0 =	vmand vm0, vm10;
	vm1 =	vmand vm1, vm11  }
0x71: {  	v11 =	vnsel vm0, $0x7F800000, v11;
	v13 =	vnsel vm1, $0x7F800000, v13;
	vm0 =	vmand vm12, vm13  }
0x72: {  	vm7 =	vlt.f32 v10, $4.000000000e+00;
	vm1 =	vmand vm15, vm6;
	vm0 =	vmand vm14, vm0  }
0x73: {  	vm9 =	vlt.f32 v8, $4.000000000e+00;
	(xrf1) =	vsort.ascd.msk.f32 $0xffff, v11, v17;
	vm1 =	vmand vm8, vm1;
	vm0 =	vmand vm0, vm7  }
0x74: {  	(xrf1) =	vsort.ascd.msk.f32 $0xffff, v13, v54;
	vm10 =	vmand vm1, vm9;
	v6 =	vnsel vm0, $0x7F800000, v10  }
0x75: {  	(xrf1) =	vsort.ascd.msk.f32 $0xffff, v6, v59;
	v6 =	vnsel vm10, $0x7F800000, v8  }
0x76: {  	(xrf1) =	vsort.ascd.msk.f32 $0xffff, v6, v60;
	_ =	sdelay $0xa  }
0x77: {  	v6, v7, _ =	vpop (xrf1)  }
0x78: {  	v8, v9, _ =	vpop (xrf1)  }
0x79: {  	v8 =	vperm.xlane v8, v4;
	v10, v11, _ =	vpop (xrf1)  }
0x7a: {  	v9 =	vperm.xlane v9, v4;
	v12, v13, _ =	vpop (xrf1)  }
0x7b: {  	vm11 =	vle.f32 v6, v8;
	v61 =	vmin.f32 v6, v8;
	v12 =	vperm.xlane v12, v4  }
0x7c: {  	v6 =	vmax.f32 v6, v8;
	v8 =	vsel vm11, v7, v9;
	v13 =	vperm.xlane v13, v4  }
0x7d: {  	v7 =	vsel vm11, v9, v7;
	(xrf1) =	vsort.ascd.msk.f32 $0xffff, v61, v8;
	vm12 =	vle.f32 v10, v12  }
0x7e: {  	(xrf1) =	vsort.ascd.msk.f32 $0xffff, v6, v7;
	v6 =	vmin.f32 v10, v12;
	v7 =	vsel vm12, v11, v13  }
0x7f: {  	v8 =	vmax.f32 v10, v12;
	v9 =	vsel vm12, v13, v11;
	(xrf1) =	vsort.ascd.msk.f32 $0xffff, v6, v7  }
0x80: {  	(xrf1) =	vsort.ascd.msk.f32 $0xffff, v8, v9;
	_ =	sdelay $0xa  }
0x81: {  	v6, v7, _ =	vpop (xrf1)  }
0x82: {  	v8, v9, _ =	vpop (xrf1)  }
0x83: {  	v10, v11, _ =	vpop (xrf1)  }
0x84: {  	v62, v63, _ =	vpop (xrf1);
	v10 =	vperm.xlane v10, v4  }
0x85: {  	v12 =	vperm.xlane v62, v4  }
0x86: {  	v11 =	vperm.xlane v11, v4;
	v13 =	vperm.xlane v63, v4;
	vm14 =	vle.f32 v8, v10  }
0x87: {  	v8 =	vmin.f32 v8, v10;
	vm13 =	vle.f32 v6, v12;
	v6 =	vmin.f32 v6, v12  }
0x88: {  	v9 =	vsel vm14, v9, v11;
	v7 =	vsel vm13, v7, v13;
	vm15 =	vle.f32 v6, v8  }
0x89: {  	v10 =	vmin.f32 v6, v8;
	v11 =	vsel vm15, v7, v9  }
0x8a: {  	v6 =	vmax.f32 v6, v8;
	v7 =	vsel vm15, v9, v7;
	(xrf1) =	vsort.ascd.msk.f32 $0xffff, v10, v11  }
0x8b: {  	(xrf1) =	vsort.ascd.msk.f32 $0xffff, v6, v7;
	_ =	sdelay $0xc  }
0x8c: {  	v7, v9, _ =	vpop (xrf1)  }
0x8d: {  	v6, v8, _ =	vpop (xrf1)  }
.LBB2_16:
0x8e: {  	s21 =	sshll.u32 s20, $0x7;
	s20 =	sadd.s32 $0x1, s20  }
0x8f: {  	vm0 =	veq.f32 v7, $+Inf;
	p0 =	sne.s32 s20, $0x80  }
.Ltmp5:
0x90: {  	v9 =	vsel vm0, v5, v9;
	(pc) =	sbr.rel @!p0 .LBB2_17-.Ltmp5, $4  }
0x91: {  	vm1 =	veq.f32 v6, $+Inf;
	v7 =	vsel vm0, $0x0, v7;
	[tilespmem:s21+$0x4280] =	vst v9  }
0x92: {  	v5 =	vsel vm1, v5, v8;
	[tilespmem:s21+$0x8280] =	vst v7  }
0x93: {  	[tilespmem:s21+$0x4290] =	vst v5;
	v5 =	vsel vm1, $0x0, v6  }
0x94: {  	[tilespmem:s21+$0x8290] =	vst v5  }
.LBB2_6:
0x95: {  	v5 =	vmov s20;
	_ =	sdelay $0x4  }
0x96: {  	v6 =	vld.idx.msk [tilespmem:v5+s15+$0x0], $0xffff  }
0x97: {  	v7 =	vld.idx.msk [tilespmem:v5+s16+$0x0], $0xffff;
	_ =	sdelay $0x3  }
0x98: {  	(v2sf) =	vpush v6, $0x0  }
0x99: {  	(v2sf) =	vpush v7, $0x0;
	_ =	sdelay $0xc  }
0x9a: {  	s23 =	sshll.u32 s20, $0x5  }
0x9b: {  	s23 =	sor.u32 s6, s23;
	s21 =	spop (v2sf)  }
0x9c: {  	v5 =	vmov s23;
	s23 =	simm.s32 $0x1;
	s22 =	sshra.s32 s21, $0x1F;
	s24 =	spop (v2sf)  }
0x9d: {  	p0 =	slt.s32 s21, $0x1;
	s22 =	sshrl.u32 s22, $0x1C;
	s24 =	sadd.s32 $0xF, s24  }
0x9e: {  	s22 =	sadd.s32 s22, s21;
	s21 =	sand.u32 $0xF, s21;
	s29 =	sand.u32 $0xF, s24  }
0x9f: {  	p6 =	slt.s32 s24, $0x1;
	s31 =	sshra.s32 s24, $0x1F;
	p1 =	sne.s32 s21, $0x0  }
0xa0: {  	p2 =	sne.s32 s29, $0x0;
	s30 =	sshra.s32 s22, $0x4;
	s22 =	sshrl.u32 s31, $0x1C  }
0xa1: {  	p0 =	por !p0, !p1;
	p1 =	por !p6, !p2;
	s22 =	sadd.s32 s22, s24  }
0xa2: {  	s24 =	simm.s32 $0x1;
	p0 =	por !p0, !p0;
	p1 =	por !p1, !p1  }
0xa3: {  	s25 =	sshra.s32 s22, $0x4;
	s23 =	simm.s32 @!p0 $0x0;
	s24 =	simm.s32 @!p1 $0x0  }
0xa4: {  	s22 =	ssub.s32 s30, s23;
	s21 =	ssub.s32 s25, s24  }
0xa5: {  	s23 =	ssub.s32 s21, s22  }
0xa6: {  	p0 =	slt.s32 s23, $0x5  }
.Ltmp6:
0xa7: {  	_ = 	snop;
	(pc) =	sbr.rel @p0 .LBB2_9-.Ltmp6, $4  }
0xa8: {  	_ = 	snop  }
0xa9: {  	v10 =	vld.idx.msk [tilespmem:v5+s5+$0x0], $0xffff  }
0xaa: {  	v9 =	vld.idx.msk [tilespmem:v5+s12+$0x0], $0xffff  }
0xab: {  	v8 =	vld.idx.msk [tilespmem:v5+s13+$0x0], $0xffff  }
0xac: {  	p0 =	sle.s32 s21, s22  }
.Ltmp7:
0xad: {  	_ = 	snop;
	(pc) =	sbr.rel @p0 .LBB2_8-.Ltmp7, $1  }
0xae: {  	_ =	sdelay $0x3  }
0xaf: {  	s23 =	sshll.u32 s22, $0x6  }
0xb0: {  	s26 =	sshra.s32 s23, $0x2  }
0xb1: {  	s25 =	sadd.s32 $0x1080, s26;
	v13 =	vld [tilespmem:s26+$0x0]  }
0xb2: {  	v14 =	vld [tilespmem:s25+$0x0]  }
0xb3: {  	s23 =	sadd.s32 $0x2100, s26  }
0xb4: {  	v15 =	vld [tilespmem:s23+$0x0];
	_ =	sdelay $0x2  }
0xb5: {  	v13 =	vsub.f32 v10, v13;
	v14 =	vsub.f32 v9, v14;
	_ =	sdelay $0x1  }
0xb6: {  	v15 =	vsub.f32 v8, v15;
	v13 =	vmul.f32 v13, v13;
	v14 =	vmul.f32 v14, v14;
	_ =	sdelay $0x1  }
0xb7: {  	s24 =	sshll.u32 s22, $0x4;
	v13 =	vadd.f32 v14, v13;
	v14 =	vmul.f32 v15, v15  }
0xb8: {  	s28 =	sadd.s32 $0x1, s22;
	v15 =	vor.u32 s24, v0  }
0xb9: {  	p1 =	slt.s32 s28, s21;
	vm0 =	vge.s32 v15, v6;
	vm1 =	vlt.s32 v15, v7;
	v13 =	vadd.f32 v14, v13  }
.Ltmp8:
0xba: {  	vm14 =	vne.s32 v15, v5;
	vm0 =	vmand vm0, vm1;
	(pc) =	sbr.rel @!p1 .LBB2_11-.Ltmp8, $4  }
0xbb: {  	vm0 =	vmand vm14, vm0;
	vm15 =	vlt.f32 v13, $4.000000000e+00  }
0xbc: {  	vm0 =	vmand vm0, vm15  }
0xbd: {  	v13 =	vnsel vm0, $0x7F800000, v13  }
0xbe: {  	v12 =	vimm.f32 $+Inf;
	v11 =	vimm.s32 $0x0;
	p0 =	por $0x0, $0x0;
	s26 =	sadd.s32 $0x10, s26;
	(xrf1) =	vsort.ascd.msk.f32 $0xffff, v13, v15  }
0xbf: {  	v13 =	vld [tilespmem:s26+$0x0];
	s22 =	sadd.s32 $0x10, s25  }
0xc0: {  	v14 =	vld [tilespmem:s22+$0x0]  }
0xc1: {  	s23 =	sadd.s32 $0x10, s23  }
0xc2: {  	v15 =	vld [tilespmem:s23+$0x0];
	_ =	sdelay $0x2  }
0xc3: {  	v13 =	vsub.f32 v10, v13;
	v14 =	vsub.f32 v9, v14;
	_ =	sdelay $0x1  }
0xc4: {  	v15 =	vsub.f32 v8, v15;
	v13 =	vmul.f32 v13, v13;
	v14 =	vmul.f32 v14, v14;
	_ =	sdelay $0x1  }
0xc5: {  	v13 =	vadd.f32 v14, v13;
	v14 =	vmul.f32 v15, v15  }
0xc6: {  	s24 =	sadd.s32 $0x10, s24  }
0xc7: {  	s25 =	sadd.s32 $0x1, s28;
	v15 =	vor.u32 s24, v0  }
0xc8: {  	p1 =	slt.s32 s25, s21;
	vm0 =	vge.s32 v15, v6;
	vm1 =	vlt.s32 v15, v7;
	v13 =	vadd.f32 v14, v13  }
.Ltmp9:
0xc9: {  	vm0 =	vmand vm0, vm1;
	vm1 =	vne.s32 v15, v5;
	v14, v16, _ =	vpop (xrf1);
	(pc) =	sbr.rel @!p1 .LBB2_13-.Ltmp9, $4  }
0xca: {  	vm0 =	vmand vm1, vm0;
	vm1 =	vlt.f32 v13, $4.000000000e+00;
	v17 =	vperm.xlane v14, v4  }
0xcb: {  	vm0 =	vmand vm0, vm1;
	v14 =	vperm.xlane v16, v4  }
0xcc: {  	v16 =	vimm.s32 $0x0;
	v18 =	vnsel vm0, $0x7F800000, v13;
	vm0 =	vle.f32 v12, v17  }
0xcd: {  	s26 =	sadd.s32 $0x10, s26;
	p0 =	por $0x1, $0x1;
	v13 =	vmin.f32 v12, v17;
	(xrf1) =	vsort.ascd.msk.f32 $0xffff, v18, v15;
	v15 =	vimm.f32 $+Inf;
	v17 =	vimm.s32 $0x0  }
.LBB2_14:
0xce: {  	v18 =	vld [tilespmem:s26+$0x0];
	s22 =	sadd.s32 $0x10, s22;
	v14 =	vsel vm0, v16, v14;
	vm0 =	vle.f32 v15, v13;
	v16 =	vmax.f32 v15, v13  }
0xcf: {  	v19 =	vld [tilespmem:s22+$0x0];
	v20 =	vsel vm0, v17, v14;
	v14 =	vsel vm0, v14, v17  }
0xd0: {  	s25 =	sadd.s32 $0x1, s25;
	s23 =	sadd.s32 $0x10, s23;
	v13 =	vmin.f32 v15, v13;
	(xrf1) =	vsort.ascd.msk.f32 $0xffff, v16, v14  }
0xd1: {  	p1 =	slt.s32 s25, s21;
	v14 =	vld [tilespmem:s23+$0x0];
	(xrf1) =	vsort.ascd.msk.f32 $0xffff, v13, v20;
	_ =	sdelay $0x2  }
0xd2: {  	v13 =	vsub.f32 v10, v18;
	v15 =	vsub.f32 v9, v19;
	_ =	sdelay $0x1  }
0xd3: {  	v13 =	vmul.f32 v13, v13;
	v14 =	vsub.f32 v8, v14;
	v15 =	vmul.f32 v15, v15;
	_ =	sdelay $0x1  }
0xd4: {  	s24 =	sadd.s32 $0x10, s24;
	v13 =	vadd.f32 v15, v13;
	v17 =	vmul.f32 v14, v14  }
0xd5: {  	v15 =	vor.u32 s24, v0  }
0xd6: {  	vm0 =	vge.s32 v15, v6;
	vm1 =	vlt.s32 v15, v7;
	v13 =	vadd.f32 v17, v13  }
.Ltmp10:
0xd7: {  	vm0 =	vmand vm0, vm1;
	vm1 =	vne.s32 v15, v5;
	v14, v16, _ =	vpop (xrf1);
	(pc) =	sbr.rel @p1 .LBB2_14-.Ltmp10, $4  }
0xd8: {  	vm0 =	vmand vm1, vm0;
	vm1 =	vlt.f32 v13, $4.000000000e+00  }
0xd9: {  	v19 =	vperm.xlane v14, v4;
	vm0 =	vmand vm0, vm1  }
0xda: {  	v14 =	vperm.xlane v16, v4;
	v13 =	vnsel vm0, $0x7F800000, v13;
	v18, v16, _ =	vpop (xrf1)  }
0xdb: {  	s26 =	sadd.s32 $0x10, s26;
	(xrf1) =	vsort.ascd.msk.f32 $0xffff, v13, v15;
	vm0 =	vle.f32 v18, v19;
	v13 =	vmin.f32 v18, v19;
	v15, v17, _ =	vpop (xrf1)  }
.LBB2_15:
0xdc: {  	v6 =	vsel @p0 vm0, v16, v14;
	vm0 =	vle.f32 @p0 v15, v13  }
0xdd: {  	v7 =	vmax.f32 @p0 v15, v13;
	v8 =	vsel @p0 vm0, v6, v17  }
0xde: {  	(xrf1) =	vsort.ascd.msk.f32 @p0 $0xffff, v7, v8  }
0xdf: {  	v6 =	vsel @p0 vm0, v17, v6;
	v7 =	vmin.f32 @p0 v15, v13  }
0xe0: {  	(xrf1) =	vsort.ascd.msk.f32 @p0 $0xffff, v7, v6;
	_ =	sdelay $0xa  }
0xe1: {  	v6, v7, _ =	vpop (xrf1)  }
0xe2: {  	v6 =	vperm.xlane v6, v4;
	v8, v9, _ =	vpop @p0 (xrf1)  }
0xe3: {  	v8 =	vpsel p0, v8, v12  }
0xe4: {  	v7 =	vperm.xlane v7, v4;
	v10, v13, _ =	vpop @p0 (xrf1);
	vm14 =	vle.f32 v8, v6  }
0xe5: {  	v6 =	vmin.f32 v8, v6;
	v8 =	vpsel p0, v9, v11;
	v9 =	vpsel p0, v10, v12  }
0xe6: {  	v10 =	vpsel p0, v13, v11;
	v7 =	vsel vm14, v8, v7;
	vm15 =	vle.f32 v9, v6  }
0xe7: {  	v8 =	vmax.f32 v9, v6;
	v11 =	vsel vm15, v7, v10  }
0xe8: {  	v6 =	vmin.f32 v9, v6;
	v7 =	vsel vm15, v10, v7;
	(xrf1) =	vsort.ascd.msk.f32 $0xffff, v8, v11  }
0xe9: {  	(xrf1) =	vsort.ascd.msk.f32 $0xffff, v6, v7;
	_ =	sdelay $0x9  }
.Ltmp11:
0xea: {  	_ = 	snop;
	(pc) =	sbr.rel .LBB2_16-.Ltmp11, $3  }
0xeb: {  	_ =	sdelay $0x1  }
0xec: {  	v6, v8, _ =	vpop (xrf1)  }
0xed: {  	v7, v9, _ =	vpop (xrf1)  }
.LBB2_8:
.Ltmp12:
0xee: {  	(pc) =	sbr.rel .LBB2_16-.Ltmp12, $3  }
0xef: {  	_ =	sdelay $0x1  }
0xf0: {  	v9 =	vimm.s32 $0x0  }
0xf1: {  	v7 =	vimm.f32 $+Inf;
	v6 =	vimm.f32 $+Inf;
	v8 =	vimm.s32 $0x0  }
.LBB2_11:
.Ltmp13:
0xf2: {  	(pc) =	sbr.rel .LBB2_15-.Ltmp13, $2  }
0xf3: {  	_ =	sdelay $0x2  }
0xf4: {  	v16 =	vimm.s32 $0x0;
	v15 =	vimm.f32 $+Inf;
	v17 =	vimm.s32 $0x0  }
.LBB2_13:
.Ltmp14:
0xf5: {  	(pc) =	sbr.rel .LBB2_15-.Ltmp14, $2  }
0xf6: {  	_ =	sdelay $0x2  }
0xf7: {  	v16 =	vimm.s32 $0x0;
	v15 =	vimm.f32 $+Inf;
	v17 =	vimm.s32 $0x0  }
.LBB2_18:
0xf8: {  	_ =	sfence.sel $0x180000  }
0xf9: {  	[bflag:$0x0] =	sbarrier.arrive $0xFFFF  }
0xfa: {  	p0 =	sne.s32 s2, $0x0;
	_ =	strace $0x90000047  }
0xfb: {  	s0 =	sadd.s32 @!p0 $0x100000, s0;
	[bflag:$0x2] =	sbarrier.arrive $0xFFFF  }
0xfc: {  	[sflag:s0] =	ssyncadd.tile.s32 @!p0 $0x1;
	_ =	shalt  }
.Lfunc_end2:
_tile_overlayer_lowered:
.L_overlay_start_2:
0xfd: {  	(tag) =	ssettag $0x2  }
0xfe: {  	s0 =	rddreg [dreg:$0x0];
	s2 =	stileid.u32  }
0xff: {  	s1 =	rddreg [dreg:$0x1];
	p0 =	sne.s32 s2, $0x0  }
0x100: {  	s3 =	rddreg [dreg:$0x2];
	[bflag:$0x3] =	sbarrier.arrive $0xFFFF;
	s2 =	simm.s32 @!p0 $0x1C01  }
0x101: {  	[timem:s3], [sflag:s2] =	dma.local @!p0 [hbm:s0], s1  }
0x102: {  	s0 =	simm.s32 @!p0 $0x1  }
0x103: {  	_ =	swait.ge @!p0 [sflag:s0], s1  }
0x104: {  	s1 =	ssub.s32 @!p0 $0x0, s1;
	[sflag:s0] =	ssyncset.done @!p0 $0x0  }
0x105: {  	[sflag:s0] =	ssyncadd.s32 @!p0 s1  }
0x106: {  	[bflag:$0x3] =	sbarrier.arrive $0xFFFF  }
0x107: {  	_ =	shalt  }

</sc_bundles>
